<compile_context>
chip_gen: v7x
topology: tpu7x:2x2x1
jax: 0.10.2.dev20260603
libtpu: 0.0.44.dev20260713+nightly
codegen_flags: <defaults>
</compile_context>

<pallas_src>
import functools

import jax
import jax.numpy as jnp
from jax import lax
from jax.experimental import pallas as pl
from jax.experimental.pallas import tpu as pltpu
from jax.experimental.pallas import tpu_sc as plsc

N = 10000
NP = 10240
RPT = NP // 16
D = 256
DH = 128
E = 160000
EPT = E // 16
CHUNK = 125
NCHUNK = EPT // CHUNK


def _make_sc_scatter(with_cnt: bool):
    mesh = plsc.VectorSubcoreMesh(core_axis_name="c", subcore_axis_name="s")
    out_type = [
        jax.ShapeDtypeStruct((NP, DH), jnp.float32),
        jax.ShapeDtypeStruct((NP, DH), jnp.float32),
        jax.ShapeDtypeStruct((NP,), jnp.float32),
    ]
    scratch_types = [
        pltpu.VMEM((NCHUNK, CHUNK), jnp.int32),
        pltpu.VMEM((NCHUNK, CHUNK), jnp.int32),
        pltpu.VMEM((CHUNK, DH), jnp.float32),
        pltpu.VMEM((CHUNK,), jnp.float32),
        pltpu.VMEM_SHARED((NP, DH), jnp.float32),
        pltpu.VMEM_SHARED((NP,), jnp.float32),
        pltpu.SemaphoreType.DMA,
        pltpu.SemaphoreType.DMA,
    ]

    @functools.partial(pl.kernel, mesh=mesh, out_type=out_type,
                       scratch_types=scratch_types)
    def k(xa_h, xb_h, src_h, dst_h, zr_h, zc_h, ones_h,
          outa_h, outb_h, cnt_h,
          srcv, dstv, rows, onesv, acc, cacc, sem, isem):
        cid = lax.axis_index("c")
        sid = lax.axis_index("s")
        rslice = pl.ds(sid * RPT, RPT)

        pltpu.sync_copy(src_h.at[sid], srcv)
        pltpu.sync_copy(dst_h.at[sid], dstv)
        pltpu.sync_copy(zr_h, acc.at[rslice])
        if with_cnt:
            @pl.when(cid == 0)
            def _():
                pltpu.sync_copy(ones_h, onesv)
                pltpu.sync_copy(zc_h, cacc.at[rslice])
        plsc.subcore_barrier()

        def run_edges(tab):
            def chunk(c, carry):
                pltpu.async_copy(tab.at[srcv.at[c]], rows, sem).wait()
                pltpu.sync_copy(rows, acc.at[dstv.at[c]], add=True)
                if with_cnt:
                    @pl.when(cid == 0)
                    def _():
                        pltpu.sync_copy(onesv, cacc.at[dstv.at[c]], add=True)
                return carry

            lax.fori_loop(0, NCHUNK, chunk, 0)

        @pl.when(cid == 0)
        def _():
            run_edges(xa_h)

        @pl.when(cid == 1)
        def _():
            run_edges(xb_h)

        plsc.subcore_barrier()

        @pl.when(cid == 0)
        def _():
            pltpu.sync_copy(acc.at[rslice], outa_h.at[rslice])
            if with_cnt:
                pltpu.sync_copy(cacc.at[rslice], cnt_h.at[rslice])

        @pl.when(cid == 1)
        def _():
            pltpu.sync_copy(acc.at[rslice], outb_h.at[rslice])

    return k


_sc_scatter_cnt = _make_sc_scatter(True)
_sc_scatter = _make_sc_scatter(False)


def _tc_layer(sa, sb, cnt, pa, pb, Wl, b, Wr, relu, half_out):
    R = 1024
    grid = NP // R

    def body(sa_r, sb_r, c_r, pa_r, pb_r, wlt_r, wlb_r, b_r, wrt_r, wrb_r,
             *outs):
        inv = 1.0 / jnp.maximum(c_r[...], 1.0)
        o = jnp.dot(sa_r[...] * inv, wlt_r[...],
                    preferred_element_type=jnp.float32)
        o += jnp.dot(sb_r[...] * inv, wlb_r[...],
                     preferred_element_type=jnp.float32)
        o += jnp.dot(pa_r[...], wrt_r[...], preferred_element_type=jnp.float32)
        o += jnp.dot(pb_r[...], wrb_r[...], preferred_element_type=jnp.float32)
        o += b_r[...]
        if relu:
            o = jnp.maximum(o, 0.0)
        if half_out:
            outs[0][...] = o[:, :DH]
            outs[1][...] = o[:, DH:]
        else:
            outs[0][...] = o

    row_spec = lambda w: pl.BlockSpec((R, w), lambda i: (i, 0))
    full_spec = lambda s: pl.BlockSpec(s, lambda i: (0, 0))
    in_specs = [row_spec(DH), row_spec(DH), row_spec(1), row_spec(DH),
                row_spec(DH), full_spec((DH, D)), full_spec((DH, D)),
                full_spec((1, D)), full_spec((DH, D)), full_spec((DH, D))]
    if half_out:
        out_specs = [row_spec(DH), row_spec(DH)]
        out_shape = [jax.ShapeDtypeStruct((NP, DH), jnp.float32)] * 2
    else:
        out_specs = [row_spec(D)]
        out_shape = [jax.ShapeDtypeStruct((NP, D), jnp.float32)]

    return pl.pallas_call(body, grid=(grid,), in_specs=in_specs,
                          out_specs=out_specs, out_shape=out_shape)(
        sa, sb, cnt, pa, pb, Wl[:DH], Wl[DH:], b.reshape(1, D), Wr[:DH],
        Wr[DH:])


def kernel(x_SRC, edge_index, W_l1, b1, W_r1, W_l2, b2, W_r2):
    xp = jnp.pad(x_SRC, ((0, NP - N), (0, 0)))
    xa = xp[:, :DH]
    xb = xp[:, DH:]
    src3 = edge_index[0].reshape(16, NCHUNK, CHUNK)
    dst3 = edge_index[1].reshape(16, NCHUNK, CHUNK)
    zr = jnp.zeros((RPT, DH), jnp.float32)
    zc = jnp.zeros((RPT,), jnp.float32)
    ones = jnp.ones((CHUNK,), jnp.float32)

    sa1, sb1, cntp = _sc_scatter_cnt(xa, xb, src3, dst3, zr, zc, ones)
    cnt = cntp.reshape(NP, 1)

    ha, hb = _tc_layer(sa1, sb1, cnt, xa, xb, W_l1, b1, W_r1,
                       relu=True, half_out=True)

    sa2, sb2, _ = _sc_scatter(ha, hb, src3, dst3, zr, zc, ones)

    (out,) = _tc_layer(sa2, sb2, cnt, ha, hb, W_l2, b2, W_r2,
                       relu=False, half_out=False)
    return out[:N]

# --- scband reference (transcript-rebuilt; emitter-appended) ---
"""Pipeline reference for scband-heterogeneous-graph-sage-35931696398504 (READ-ONLY COPY).

The authoritative reference and input builder live on the scoring server;
editing this copy changes nothing except your own understanding.
"""

import jax, jax.numpy as jnp
import numpy as np

N = 10000
E = 160000
D_IN = 256
D_HID = 256
D_OUT = 256


def setup_inputs(seed: int = 0) -> dict:
    key = jax.random.key(seed)
    ks = jax.random.split(key, 9)
    x = jax.random.normal(ks[0], (N, D_IN), dtype=jnp.float32)
    edge_index = jax.random.randint(ks[1], (2, E), 0, N, dtype=jnp.int32)
    # SAGEConv layer 1 params: lin_l (aggregated neighbors, with bias), lin_r (root)
    s1 = 1.0 / np.sqrt(D_IN)
    W_l1 = jax.random.uniform(ks[2], (D_IN, D_HID), jnp.float32, -s1, s1)
    b1 = jax.random.uniform(ks[3], (D_HID,), jnp.float32, -s1, s1)
    W_r1 = jax.random.uniform(ks[4], (D_IN, D_HID), jnp.float32, -s1, s1)
    # SAGEConv layer 2 params
    s2 = 1.0 / np.sqrt(D_HID)
    W_l2 = jax.random.uniform(ks[5], (D_HID, D_OUT), jnp.float32, -s2, s2)
    b2 = jax.random.uniform(ks[6], (D_OUT,), jnp.float32, -s2, s2)
    W_r2 = jax.random.uniform(ks[7], (D_HID, D_OUT), jnp.float32, -s2, s2)
    return {"x_SRC": x, "edge_index": edge_index, "W_l1": W_l1, "b1": b1,
            "W_r1": W_r1, "W_l2": W_l2, "b2": b2, "W_r2": W_r2}


def _sage_conv(x, edge_index, W_l, b, W_r):
    # PyG SAGEConv with mean aggregation:
    # out = lin_l(mean_{j in N(i)} x_j) + lin_r(x_i)
    src = edge_index[0]
    dst = edge_index[1]
    msgs = jnp.take(x, src, axis=0)                       # gather (SparseCore)
    summed = jax.ops.segment_sum(msgs, dst, num_segments=N)  # scatter-add
    cnt = jax.ops.segment_sum(jnp.ones((msgs.shape[0], 1), x.dtype), dst, num_segments=N)
    aggr = summed / jnp.maximum(cnt, 1.0)
    return aggr @ W_l + b + x @ W_r


def reference(x_SRC, edge_index, W_l1, b1, W_r1, W_l2, b2, W_r2):
    # Layer 1 (hetero dict with single node type 'SRC' and edge type SRC->SRC)
    h = _sage_conv(x_SRC, edge_index, W_l1, b1, W_r1)
    # inter-layer: ReLU (inplace) then dropout (identity at inference, training=False)
    h = jax.nn.relu(h)
    # Layer 2 (last layer, set_out_input_dim_equal -> out_channels)
    out = _sage_conv(h, edge_index, W_l2, b2, W_r2)
    return out

if __name__ == "__main__":
    import jax
    _d = setup_inputs()
    print(jax.jit(kernel)(*tuple(_d.values())))

</pallas_src>

<mosaic_0001>
#map = affine_map<(d0, d1) -> (0, 0)>
#map1 = affine_map<(d0, d1) -> (0, 0, 0)>
#map2 = affine_map<(d0, d1) -> (0)>
module attributes {stable_mosaic.version = 14 : i64} {
  func.func @k(%arg0: i32, %arg1: i32, %arg2: memref<10240x128xf32, #tpu.memory_space<hbm>>, %arg3: memref<10240x128xf32, #tpu.memory_space<hbm>>, %arg4: memref<16x80x125xi32, #tpu.memory_space<hbm>>, %arg5: memref<16x80x125xi32, #tpu.memory_space<hbm>>, %arg6: memref<640x128xf32, #tpu.memory_space<hbm>>, %arg7: memref<640xf32, #tpu.memory_space<hbm>>, %arg8: memref<125xf32, #tpu.memory_space<hbm>>, %arg9: memref<10240x128xf32, #tpu.memory_space<hbm>>, %arg10: memref<10240x128xf32, #tpu.memory_space<hbm>>, %arg11: memref<10240xf32, #tpu.memory_space<hbm>>, %arg12: memref<80x125xi32, #tpu.memory_space<vmem>>, %arg13: memref<80x125xi32, #tpu.memory_space<vmem>>, %arg14: memref<125x128xf32, #tpu.memory_space<vmem>>, %arg15: memref<125xf32, #tpu.memory_space<vmem>>, %arg16: memref<10240x128xf32, #tpu.memory_space<vmem_shared>>, %arg17: memref<10240xf32, #tpu.memory_space<vmem_shared>>, %arg18: memref<!tpu.dma_semaphore, #tpu.memory_space<semaphore_mem>>, %arg19: memref<!tpu.dma_semaphore, #tpu.memory_space<semaphore_mem>>) attributes {dimension_semantics = [#tpu.dimension_semantics<core_parallel>, #tpu.dimension_semantics<subcore_parallel>], iteration_bounds = array<i64: 2, 16>, scalar_prefetch = 0 : i64, scratch_operands = 8 : i64, tpu.core_type = #tpu.core_type<sc_vector_subcore>, window_params = [{transform_indices = #map}, {transform_indices = #map}, {transform_indices = #map1}, {transform_indices = #map1}, {transform_indices = #map}, {transform_indices = #map2}, {transform_indices = #map2}, {transform_indices = #map}, {transform_indices = #map}, {transform_indices = #map2}]} {
    %mul3A = arith.constant 640 : i32
    %mul3A_0 = arith.muli %arg1, %mul3A : i32
    "tpu.region"() ({
      %run_scoped3A = tpu.sem_alloc : memref<!tpu.dma_semaphore, #tpu.memory_space<semaphore_mem>>
      %dma_start3A = arith.constant 0 : i32
      %dma_start3A_19 = arith.constant 0 : i32
      %dma_start3A_20 = tpu.memref_slice %arg4[%arg1, %dma_start3A, %dma_start3A_19] : memref<16x80x125xi32, #tpu.memory_space<hbm>> -> memref<1x80x125xi32, #tpu.memory_space<hbm>>
      %dma_start3A_21 = tpu.memref_squeeze %dma_start3A_20 : memref<1x80x125xi32, #tpu.memory_space<hbm>> -> memref<80x125xi32, #tpu.memory_space<hbm>>
      %dma_start3A_22 = arith.constant 0 : i32
      %dma_start3A_23 = arith.constant 0 : i32
      %dma_start3A_24 = tpu.memref_slice %arg4[%arg1, %dma_start3A_22, %dma_start3A_23] : memref<16x80x125xi32, #tpu.memory_space<hbm>> -> memref<1x80x125xi32, #tpu.memory_space<hbm>>
      %dma_start3A_25 = tpu.memref_squeeze %dma_start3A_24 : memref<1x80x125xi32, #tpu.memory_space<hbm>> -> memref<80x125xi32, #tpu.memory_space<hbm>>
      tpu.enqueue_dma source(%dma_start3A_25 : memref<80x125xi32, #tpu.memory_space<hbm>>) target(%arg12 : memref<80x125xi32, #tpu.memory_space<vmem>>) target_semaphore(%run_scoped3A : memref<!tpu.dma_semaphore, #tpu.memory_space<semaphore_mem>>)
      %dma_wait3A = arith.constant 0 : i32
      %dma_wait3A_26 = arith.constant 0 : i32
      %dma_wait3A_27 = tpu.memref_slice %arg4[%arg1, %dma_wait3A, %dma_wait3A_26] : memref<16x80x125xi32, #tpu.memory_space<hbm>> -> memref<1x80x125xi32, #tpu.memory_space<hbm>>
      %dma_wait3A_28 = tpu.memref_squeeze %dma_wait3A_27 : memref<1x80x125xi32, #tpu.memory_space<hbm>> -> memref<80x125xi32, #tpu.memory_space<hbm>>
      %dma_wait3A_29 = arith.constant 0 : i32
      %dma_wait3A_30 = arith.constant 0 : i32
      %dma_wait3A_31 = tpu.memref_slice %arg4[%arg1, %dma_wait3A_29, %dma_wait3A_30] : memref<16x80x125xi32, #tpu.memory_space<hbm>> -> memref<1x80x125xi32, #tpu.memory_space<hbm>>
      %dma_wait3A_32 = tpu.memref_squeeze %dma_wait3A_31 : memref<1x80x125xi32, #tpu.memory_space<hbm>> -> memref<80x125xi32, #tpu.memory_space<hbm>>
      tpu.wait_dma2 semaphore(%run_scoped3A : memref<!tpu.dma_semaphore, #tpu.memory_space<semaphore_mem>>) src(%dma_wait3A_32 : memref<80x125xi32, #tpu.memory_space<hbm>>) dst(%arg12 : memref<80x125xi32, #tpu.memory_space<vmem>>)
      tpu.yield
    }) : () -> ()
    "tpu.region"() ({
      %run_scoped3A = tpu.sem_alloc : memref<!tpu.dma_semaphore, #tpu.memory_space<semaphore_mem>>
      %dma_start3A = arith.constant 0 : i32
      %dma_start3A_19 = arith.constant 0 : i32
      %dma_start3A_20 = tpu.memref_slice %arg5[%arg1, %dma_start3A, %dma_start3A_19] : memref<16x80x125xi32, #tpu.memory_space<hbm>> -> memref<1x80x125xi32, #tpu.memory_space<hbm>>
      %dma_start3A_21 = tpu.memref_squeeze %dma_start3A_20 : memref<1x80x125xi32, #tpu.memory_space<hbm>> -> memref<80x125xi32, #tpu.memory_space<hbm>>
      %dma_start3A_22 = arith.constant 0 : i32
      %dma_start3A_23 = arith.constant 0 : i32
      %dma_start3A_24 = tpu.memref_slice %arg5[%arg1, %dma_start3A_22, %dma_start3A_23] : memref<16x80x125xi32, #tpu.memory_space<hbm>> -> memref<1x80x125xi32, #tpu.memory_space<hbm>>
      %dma_start3A_25 = tpu.memref_squeeze %dma_start3A_24 : memref<1x80x125xi32, #tpu.memory_space<hbm>> -> memref<80x125xi32, #tpu.memory_space<hbm>>
      tpu.enqueue_dma source(%dma_start3A_25 : memref<80x125xi32, #tpu.memory_space<hbm>>) target(%arg13 : memref<80x125xi32, #tpu.memory_space<vmem>>) target_semaphore(%run_scoped3A : memref<!tpu.dma_semaphore, #tpu.memory_space<semaphore_mem>>)
      %dma_wait3A = arith.constant 0 : i32
      %dma_wait3A_26 = arith.constant 0 : i32
      %dma_wait3A_27 = tpu.memref_slice %arg5[%arg1, %dma_wait3A, %dma_wait3A_26] : memref<16x80x125xi32, #tpu.memory_space<hbm>> -> memref<1x80x125xi32, #tpu.memory_space<hbm>>
      %dma_wait3A_28 = tpu.memref_squeeze %dma_wait3A_27 : memref<1x80x125xi32, #tpu.memory_space<hbm>> -> memref<80x125xi32, #tpu.memory_space<hbm>>
      %dma_wait3A_29 = arith.constant 0 : i32
      %dma_wait3A_30 = arith.constant 0 : i32
      %dma_wait3A_31 = tpu.memref_slice %arg5[%arg1, %dma_wait3A_29, %dma_wait3A_30] : memref<16x80x125xi32, #tpu.memory_space<hbm>> -> memref<1x80x125xi32, #tpu.memory_space<hbm>>
      %dma_wait3A_32 = tpu.memref_squeeze %dma_wait3A_31 : memref<1x80x125xi32, #tpu.memory_space<hbm>> -> memref<80x125xi32, #tpu.memory_space<hbm>>
      tpu.wait_dma2 semaphore(%run_scoped3A : memref<!tpu.dma_semaphore, #tpu.memory_space<semaphore_mem>>) src(%dma_wait3A_32 : memref<80x125xi32, #tpu.memory_space<hbm>>) dst(%arg13 : memref<80x125xi32, #tpu.memory_space<vmem>>)
      tpu.yield
    }) : () -> ()
    "tpu.region"() ({
      %run_scoped3A = tpu.sem_alloc : memref<!tpu.dma_semaphore, #tpu.memory_space<semaphore_mem>>
      %dma_start3A = arith.constant 0 : i32
      %dma_start3A_19 = tpu.memref_slice %arg16[%mul3A_0, %dma_start3A] : memref<10240x128xf32, #tpu.memory_space<vmem_shared>> -> memref<640x128xf32, #tpu.memory_space<vmem_shared>>
      tpu.enqueue_dma source(%arg6 : memref<640x128xf32, #tpu.memory_space<hbm>>) target(%dma_start3A_19 : memref<640x128xf32, #tpu.memory_space<vmem_shared>>) target_semaphore(%run_scoped3A : memref<!tpu.dma_semaphore, #tpu.memory_space<semaphore_mem>>)
      %dma_wait3A = arith.constant 0 : i32
      %dma_wait3A_20 = tpu.memref_slice %arg16[%mul3A_0, %dma_wait3A] : memref<10240x128xf32, #tpu.memory_space<vmem_shared>> -> memref<640x128xf32, #tpu.memory_space<vmem_shared>>
      tpu.wait_dma2 semaphore(%run_scoped3A : memref<!tpu.dma_semaphore, #tpu.memory_space<semaphore_mem>>) src(%arg6 : memref<640x128xf32, #tpu.memory_space<hbm>>) dst(%dma_wait3A_20 : memref<640x128xf32, #tpu.memory_space<vmem_shared>>)
      tpu.yield
    }) : () -> ()
    %barrier3A = arith.constant 0 : index
    tpu.barrier barrier_id(%barrier3A)
    %eq3A = arith.constant 0 : i32
    %eq3A_1 = arith.cmpi eq, %arg0, %eq3A : i32
    %convert_element_type3A = arith.extui %eq3A_1 : i1 to i32
    %cond3A = arith.constant 0 : i32
    %cond3A_2 = arith.cmpi ne, %convert_element_type3A, %cond3A : i32
    scf.if %cond3A_2 {
      %scan3A = arith.constant 0 : i32
      %scan3A_19 = arith.constant 0 : i32
      %scan3A_20 = arith.constant 80 : i32
      %scan3A_21 = arith.addi %scan3A_19, %scan3A_20 : i32
      %scan3A_22 = arith.constant 1 : i32
      scf.for %scan3A_24 = %scan3A_19 to %scan3A_21 step %scan3A_22  : i32 {
        %dma_start3A = arith.constant 0 : i32
        %dma_start3A_25 = tpu.memref_slice %arg12[%scan3A_24, %dma_start3A] : memref<80x125xi32, #tpu.memory_space<vmem>> -> memref<1x125xi32, #tpu.memory_space<vmem>>
        %dma_start3A_26 = tpu.memref_squeeze %dma_start3A_25 : memref<1x125xi32, #tpu.memory_space<vmem>> -> memref<125xi32, #tpu.memory_space<vmem>>
        %dma_start3A_27 = arith.constant 0 : i32
        %dma_start3A_28 = arith.constant 0 : i32
        %dma_start3A_29 = tpu.memref_slice %arg2[%dma_start3A_27, %dma_start3A_28] : memref<10240x128xf32, #tpu.memory_space<hbm>> -> memref<10240x128xf32, #tpu.memory_space<hbm>>
        tpu.enqueue_indirect_dma source(%dma_start3A_29 : memref<10240x128xf32, #tpu.memory_space<hbm>>) target(%arg14 : memref<125x128xf32, #tpu.memory_space<vmem>>) offsets(%dma_start3A_26 : memref<125xi32, #tpu.memory_space<vmem>>) semaphore(%arg18 : memref<!tpu.dma_semaphore, #tpu.memory_space<semaphore_mem>>)
        %dma_wait3A = arith.constant 0 : i32
        %dma_wait3A_30 = tpu.memref_slice %arg12[%scan3A_24, %dma_wait3A] : memref<80x125xi32, #tpu.memory_space<vmem>> -> memref<1x125xi32, #tpu.memory_space<vmem>>
        %dma_wait3A_31 = tpu.memref_squeeze %dma_wait3A_30 : memref<1x125xi32, #tpu.memory_space<vmem>> -> memref<125xi32, #tpu.memory_space<vmem>>
        %dma_wait3A_32 = arith.constant 0 : i32
        %dma_wait3A_33 = arith.constant 0 : i32
        %dma_wait3A_34 = tpu.memref_slice %arg2[%dma_wait3A_32, %dma_wait3A_33] : memref<10240x128xf32, #tpu.memory_space<hbm>> -> memref<10240x128xf32, #tpu.memory_space<hbm>>
        tpu.wait_indirect_dma semaphore(%arg18 : memref<!tpu.dma_semaphore, #tpu.memory_space<semaphore_mem>>) src(%dma_wait3A_34 : memref<10240x128xf32, #tpu.memory_space<hbm>>) dst(%arg14 : memref<125x128xf32, #tpu.memory_space<vmem>>)
        "tpu.region"() ({
          %run_scoped3A = tpu.sem_alloc : memref<!tpu.dma_semaphore, #tpu.memory_space<semaphore_mem>>
          %dma_start3A_35 = arith.constant 0 : i32
          %dma_start3A_36 = tpu.memref_slice %arg13[%scan3A_24, %dma_start3A_35] : memref<80x125xi32, #tpu.memory_space<vmem>> -> memref<1x125xi32, #tpu.memory_space<vmem>>
          %dma_start3A_37 = tpu.memref_squeeze %dma_start3A_36 : memref<1x125xi32, #tpu.memory_space<vmem>> -> memref<125xi32, #tpu.memory_space<vmem>>
          %dma_start3A_38 = arith.constant 0 : i32
          %dma_start3A_39 = arith.constant 0 : i32
          %dma_start3A_40 = tpu.memref_slice %arg16[%dma_start3A_38, %dma_start3A_39] : memref<10240x128xf32, #tpu.memory_space<vmem_shared>> -> memref<10240x128xf32, #tpu.memory_space<vmem_shared>>
          tpu.enqueue_indirect_dma source(%arg14 : memref<125x128xf32, #tpu.memory_space<vmem>>) target(%dma_start3A_40 : memref<10240x128xf32, #tpu.memory_space<vmem_shared>>) offsets(%dma_start3A_37 : memref<125xi32, #tpu.memory_space<vmem>>) semaphore(%run_scoped3A : memref<!tpu.dma_semaphore, #tpu.memory_space<semaphore_mem>>) {add = true}
          %dma_wait3A_41 = arith.constant 0 : i32
          %dma_wait3A_42 = tpu.memref_slice %arg13[%scan3A_24, %dma_wait3A_41] : memref<80x125xi32, #tpu.memory_space<vmem>> -> memref<1x125xi32, #tpu.memory_space<vmem>>
          %dma_wait3A_43 = tpu.memref_squeeze %dma_wait3A_42 : memref<1x125xi32, #tpu.memory_space<vmem>> -> memref<125xi32, #tpu.memory_space<vmem>>
          %dma_wait3A_44 = arith.constant 0 : i32
          %dma_wait3A_45 = arith.constant 0 : i32
          %dma_wait3A_46 = tpu.memref_slice %arg16[%dma_wait3A_44, %dma_wait3A_45] : memref<10240x128xf32, #tpu.memory_space<vmem_shared>> -> memref<10240x128xf32, #tpu.memory_space<vmem_shared>>
          tpu.wait_indirect_dma semaphore(%run_scoped3A : memref<!tpu.dma_semaphore, #tpu.memory_space<semaphore_mem>>) src(%arg14 : memref<125x128xf32, #tpu.memory_space<vmem>>) dst(%dma_wait3A_46 : memref<10240x128xf32, #tpu.memory_space<vmem_shared>>)
          tpu.yield
        }) : () -> ()
      }
      %scan3A_23 = arith.constant 80 : i32
    } else {
    }
    %eq3A_3 = arith.constant 1 : i32
    %eq3A_4 = arith.cmpi eq, %arg0, %eq3A_3 : i32
    %convert_element_type3A_5 = arith.extui %eq3A_4 : i1 to i32
    %cond3A_6 = arith.constant 0 : i32
    %cond3A_7 = arith.cmpi ne, %convert_element_type3A_5, %cond3A_6 : i32
    scf.if %cond3A_7 {
      %scan3A = arith.constant 0 : i32
      %scan3A_19 = arith.constant 0 : i32
      %scan3A_20 = arith.constant 80 : i32
      %scan3A_21 = arith.addi %scan3A_19, %scan3A_20 : i32
      %scan3A_22 = arith.constant 1 : i32
      scf.for %scan3A_24 = %scan3A_19 to %scan3A_21 step %scan3A_22  : i32 {
        %dma_start3A = arith.constant 0 : i32
        %dma_start3A_25 = tpu.memref_slice %arg12[%scan3A_24, %dma_start3A] : memref<80x125xi32, #tpu.memory_space<vmem>> -> memref<1x125xi32, #tpu.memory_space<vmem>>
        %dma_start3A_26 = tpu.memref_squeeze %dma_start3A_25 : memref<1x125xi32, #tpu.memory_space<vmem>> -> memref<125xi32, #tpu.memory_space<vmem>>
        %dma_start3A_27 = arith.constant 0 : i32
        %dma_start3A_28 = arith.constant 0 : i32
        %dma_start3A_29 = tpu.memref_slice %arg3[%dma_start3A_27, %dma_start3A_28] : memref<10240x128xf32, #tpu.memory_space<hbm>> -> memref<10240x128xf32, #tpu.memory_space<hbm>>
        tpu.enqueue_indirect_dma source(%dma_start3A_29 : memref<10240x128xf32, #tpu.memory_space<hbm>>) target(%arg14 : memref<125x128xf32, #tpu.memory_space<vmem>>) offsets(%dma_start3A_26 : memref<125xi32, #tpu.memory_space<vmem>>) semaphore(%arg18 : memref<!tpu.dma_semaphore, #tpu.memory_space<semaphore_mem>>)
        %dma_wait3A = arith.constant 0 : i32
        %dma_wait3A_30 = tpu.memref_slice %arg12[%scan3A_24, %dma_wait3A] : memref<80x125xi32, #tpu.memory_space<vmem>> -> memref<1x125xi32, #tpu.memory_space<vmem>>
        %dma_wait3A_31 = tpu.memref_squeeze %dma_wait3A_30 : memref<1x125xi32, #tpu.memory_space<vmem>> -> memref<125xi32, #tpu.memory_space<vmem>>
        %dma_wait3A_32 = arith.constant 0 : i32
        %dma_wait3A_33 = arith.constant 0 : i32
        %dma_wait3A_34 = tpu.memref_slice %arg3[%dma_wait3A_32, %dma_wait3A_33] : memref<10240x128xf32, #tpu.memory_space<hbm>> -> memref<10240x128xf32, #tpu.memory_space<hbm>>
        tpu.wait_indirect_dma semaphore(%arg18 : memref<!tpu.dma_semaphore, #tpu.memory_space<semaphore_mem>>) src(%dma_wait3A_34 : memref<10240x128xf32, #tpu.memory_space<hbm>>) dst(%arg14 : memref<125x128xf32, #tpu.memory_space<vmem>>)
        "tpu.region"() ({
          %run_scoped3A = tpu.sem_alloc : memref<!tpu.dma_semaphore, #tpu.memory_space<semaphore_mem>>
          %dma_start3A_35 = arith.constant 0 : i32
          %dma_start3A_36 = tpu.memref_slice %arg13[%scan3A_24, %dma_start3A_35] : memref<80x125xi32, #tpu.memory_space<vmem>> -> memref<1x125xi32, #tpu.memory_space<vmem>>
          %dma_start3A_37 = tpu.memref_squeeze %dma_start3A_36 : memref<1x125xi32, #tpu.memory_space<vmem>> -> memref<125xi32, #tpu.memory_space<vmem>>
          %dma_start3A_38 = arith.constant 0 : i32
          %dma_start3A_39 = arith.constant 0 : i32
          %dma_start3A_40 = tpu.memref_slice %arg16[%dma_start3A_38, %dma_start3A_39] : memref<10240x128xf32, #tpu.memory_space<vmem_shared>> -> memref<10240x128xf32, #tpu.memory_space<vmem_shared>>
          tpu.enqueue_indirect_dma source(%arg14 : memref<125x128xf32, #tpu.memory_space<vmem>>) target(%dma_start3A_40 : memref<10240x128xf32, #tpu.memory_space<vmem_shared>>) offsets(%dma_start3A_37 : memref<125xi32, #tpu.memory_space<vmem>>) semaphore(%run_scoped3A : memref<!tpu.dma_semaphore, #tpu.memory_space<semaphore_mem>>) {add = true}
          %dma_wait3A_41 = arith.constant 0 : i32
          %dma_wait3A_42 = tpu.memref_slice %arg13[%scan3A_24, %dma_wait3A_41] : memref<80x125xi32, #tpu.memory_space<vmem>> -> memref<1x125xi32, #tpu.memory_space<vmem>>
          %dma_wait3A_43 = tpu.memref_squeeze %dma_wait3A_42 : memref<1x125xi32, #tpu.memory_space<vmem>> -> memref<125xi32, #tpu.memory_space<vmem>>
          %dma_wait3A_44 = arith.constant 0 : i32
          %dma_wait3A_45 = arith.constant 0 : i32
          %dma_wait3A_46 = tpu.memref_slice %arg16[%dma_wait3A_44, %dma_wait3A_45] : memref<10240x128xf32, #tpu.memory_space<vmem_shared>> -> memref<10240x128xf32, #tpu.memory_space<vmem_shared>>
          tpu.wait_indirect_dma semaphore(%run_scoped3A : memref<!tpu.dma_semaphore, #tpu.memory_space<semaphore_mem>>) src(%arg14 : memref<125x128xf32, #tpu.memory_space<vmem>>) dst(%dma_wait3A_46 : memref<10240x128xf32, #tpu.memory_space<vmem_shared>>)
          tpu.yield
        }) : () -> ()
      }
      %scan3A_23 = arith.constant 80 : i32
    } else {
    }
    %barrier3A_8 = arith.constant 0 : index
    tpu.barrier barrier_id(%barrier3A_8)
    %eq3A_9 = arith.constant 0 : i32
    %eq3A_10 = arith.cmpi eq, %arg0, %eq3A_9 : i32
    %convert_element_type3A_11 = arith.extui %eq3A_10 : i1 to i32
    %cond3A_12 = arith.constant 0 : i32
    %cond3A_13 = arith.cmpi ne, %convert_element_type3A_11, %cond3A_12 : i32
    scf.if %cond3A_13 {
      "tpu.region"() ({
        %run_scoped3A = tpu.sem_alloc : memref<!tpu.dma_semaphore, #tpu.memory_space<semaphore_mem>>
        %dma_start3A = arith.constant 0 : i32
        %dma_start3A_19 = tpu.memref_slice %arg9[%mul3A_0, %dma_start3A] : memref<10240x128xf32, #tpu.memory_space<hbm>> -> memref<640x128xf32, #tpu.memory_space<hbm>>
        %dma_start3A_20 = arith.constant 0 : i32
        %dma_start3A_21 = tpu.memref_slice %arg16[%mul3A_0, %dma_start3A_20] : memref<10240x128xf32, #tpu.memory_space<vmem_shared>> -> memref<640x128xf32, #tpu.memory_space<vmem_shared>>
        tpu.enqueue_dma source(%dma_start3A_21 : memref<640x128xf32, #tpu.memory_space<vmem_shared>>) target(%dma_start3A_19 : memref<640x128xf32, #tpu.memory_space<hbm>>) target_semaphore(%run_scoped3A : memref<!tpu.dma_semaphore, #tpu.memory_space<semaphore_mem>>)
        %dma_wait3A = arith.constant 0 : i32
        %dma_wait3A_22 = tpu.memref_slice %arg9[%mul3A_0, %dma_wait3A] : memref<10240x128xf32, #tpu.memory_space<hbm>> -> memref<640x128xf32, #tpu.memory_space<hbm>>
        %dma_wait3A_23 = arith.constant 0 : i32
        %dma_wait3A_24 = tpu.memref_slice %arg16[%mul3A_0, %dma_wait3A_23] : memref<10240x128xf32, #tpu.memory_space<vmem_shared>> -> memref<640x128xf32, #tpu.memory_space<vmem_shared>>
        tpu.wait_dma2 semaphore(%run_scoped3A : memref<!tpu.dma_semaphore, #tpu.memory_space<semaphore_mem>>) src(%dma_wait3A_24 : memref<640x128xf32, #tpu.memory_space<vmem_shared>>) dst(%dma_wait3A_22 : memref<640x128xf32, #tpu.memory_space<hbm>>)
        tpu.yield
      }) : () -> ()
    } else {
    }
    %eq3A_14 = arith.constant 1 : i32
    %eq3A_15 = arith.cmpi eq, %arg0, %eq3A_14 : i32
    %convert_element_type3A_16 = arith.extui %eq3A_15 : i1 to i32
    %cond3A_17 = arith.constant 0 : i32
    %cond3A_18 = arith.cmpi ne, %convert_element_type3A_16, %cond3A_17 : i32
    scf.if %cond3A_18 {
      "tpu.region"() ({
        %run_scoped3A = tpu.sem_alloc : memref<!tpu.dma_semaphore, #tpu.memory_space<semaphore_mem>>
        %dma_start3A = arith.constant 0 : i32
        %dma_start3A_19 = tpu.memref_slice %arg10[%mul3A_0, %dma_start3A] : memref<10240x128xf32, #tpu.memory_space<hbm>> -> memref<640x128xf32, #tpu.memory_space<hbm>>
        %dma_start3A_20 = arith.constant 0 : i32
        %dma_start3A_21 = tpu.memref_slice %arg16[%mul3A_0, %dma_start3A_20] : memref<10240x128xf32, #tpu.memory_space<vmem_shared>> -> memref<640x128xf32, #tpu.memory_space<vmem_shared>>
        tpu.enqueue_dma source(%dma_start3A_21 : memref<640x128xf32, #tpu.memory_space<vmem_shared>>) target(%dma_start3A_19 : memref<640x128xf32, #tpu.memory_space<hbm>>) target_semaphore(%run_scoped3A : memref<!tpu.dma_semaphore, #tpu.memory_space<semaphore_mem>>)
        %dma_wait3A = arith.constant 0 : i32
        %dma_wait3A_22 = tpu.memref_slice %arg10[%mul3A_0, %dma_wait3A] : memref<10240x128xf32, #tpu.memory_space<hbm>> -> memref<640x128xf32, #tpu.memory_space<hbm>>
        %dma_wait3A_23 = arith.constant 0 : i32
        %dma_wait3A_24 = tpu.memref_slice %arg16[%mul3A_0, %dma_wait3A_23] : memref<10240x128xf32, #tpu.memory_space<vmem_shared>> -> memref<640x128xf32, #tpu.memory_space<vmem_shared>>
        tpu.wait_dma2 semaphore(%run_scoped3A : memref<!tpu.dma_semaphore, #tpu.memory_space<semaphore_mem>>) src(%dma_wait3A_24 : memref<640x128xf32, #tpu.memory_space<vmem_shared>>) dst(%dma_wait3A_22 : memref<640x128xf32, #tpu.memory_space<hbm>>)
        tpu.yield
      }) : () -> ()
    } else {
    }
    return
  }
}

#map = affine_map<(d0, d1) -> (0, 0)>
#map1 = affine_map<(d0, d1) -> (0, 0, 0)>
#map2 = affine_map<(d0, d1) -> (0)>
module attributes {stable_mosaic.version = 14 : i64} {
  func.func @k(%arg0: i32, %arg1: i32, %arg2: memref<10240x128xf32, #tpu.memory_space<hbm>>, %arg3: memref<10240x128xf32, #tpu.memory_space<hbm>>, %arg4: memref<16x80x125xi32, #tpu.memory_space<hbm>>, %arg5: memref<16x80x125xi32, #tpu.memory_space<hbm>>, %arg6: memref<640x128xf32, #tpu.memory_space<hbm>>, %arg7: memref<640xf32, #tpu.memory_space<hbm>>, %arg8: memref<125xf32, #tpu.memory_space<hbm>>, %arg9: memref<10240x128xf32, #tpu.memory_space<hbm>>, %arg10: memref<10240x128xf32, #tpu.memory_space<hbm>>, %arg11: memref<10240xf32, #tpu.memory_space<hbm>>, %arg12: memref<80x125xi32, #tpu.memory_space<vmem>>, %arg13: memref<80x125xi32, #tpu.memory_space<vmem>>, %arg14: memref<125x128xf32, #tpu.memory_space<vmem>>, %arg15: memref<125xf32, #tpu.memory_space<vmem>>, %arg16: memref<10240x128xf32, #tpu.memory_space<vmem_shared>>, %arg17: memref<10240xf32, #tpu.memory_space<vmem_shared>>, %arg18: memref<!tpu.dma_semaphore, #tpu.memory_space<semaphore_mem>>, %arg19: memref<!tpu.dma_semaphore, #tpu.memory_space<semaphore_mem>>) attributes {dimension_semantics = [#tpu.dimension_semantics<core_parallel>, #tpu.dimension_semantics<subcore_parallel>], iteration_bounds = array<i64: 2, 16>, scalar_prefetch = 0 : i64, scratch_operands = 8 : i64, tpu.core_type = #tpu.core_type<sc_vector_subcore>, window_params = [{transform_indices = #map}, {transform_indices = #map}, {transform_indices = #map1}, {transform_indices = #map1}, {transform_indices = #map}, {transform_indices = #map2}, {transform_indices = #map2}, {transform_indices = #map}, {transform_indices = #map}, {transform_indices = #map2}]} {
    %mul3A = arith.constant 640 : i32
    %mul3A_0 = arith.muli %arg1, %mul3A : i32
    "tpu.region"() ({
      %run_scoped3A = tpu.sem_alloc : memref<!tpu.dma_semaphore, #tpu.memory_space<semaphore_mem>>
      %dma_start3A = arith.constant 0 : i32
      %dma_start3A_24 = arith.constant 0 : i32
      %dma_start3A_25 = tpu.memref_slice %arg4[%arg1, %dma_start3A, %dma_start3A_24] : memref<16x80x125xi32, #tpu.memory_space<hbm>> -> memref<1x80x125xi32, #tpu.memory_space<hbm>>
      %dma_start3A_26 = tpu.memref_squeeze %dma_start3A_25 : memref<1x80x125xi32, #tpu.memory_space<hbm>> -> memref<80x125xi32, #tpu.memory_space<hbm>>
      %dma_start3A_27 = arith.constant 0 : i32
      %dma_start3A_28 = arith.constant 0 : i32
      %dma_start3A_29 = tpu.memref_slice %arg4[%arg1, %dma_start3A_27, %dma_start3A_28] : memref<16x80x125xi32, #tpu.memory_space<hbm>> -> memref<1x80x125xi32, #tpu.memory_space<hbm>>
      %dma_start3A_30 = tpu.memref_squeeze %dma_start3A_29 : memref<1x80x125xi32, #tpu.memory_space<hbm>> -> memref<80x125xi32, #tpu.memory_space<hbm>>
      tpu.enqueue_dma source(%dma_start3A_30 : memref<80x125xi32, #tpu.memory_space<hbm>>) target(%arg12 : memref<80x125xi32, #tpu.memory_space<vmem>>) target_semaphore(%run_scoped3A : memref<!tpu.dma_semaphore, #tpu.memory_space<semaphore_mem>>)
      %dma_wait3A = arith.constant 0 : i32
      %dma_wait3A_31 = arith.constant 0 : i32
      %dma_wait3A_32 = tpu.memref_slice %arg4[%arg1, %dma_wait3A, %dma_wait3A_31] : memref<16x80x125xi32, #tpu.memory_space<hbm>> -> memref<1x80x125xi32, #tpu.memory_space<hbm>>
      %dma_wait3A_33 = tpu.memref_squeeze %dma_wait3A_32 : memref<1x80x125xi32, #tpu.memory_space<hbm>> -> memref<80x125xi32, #tpu.memory_space<hbm>>
      %dma_wait3A_34 = arith.constant 0 : i32
      %dma_wait3A_35 = arith.constant 0 : i32
      %dma_wait3A_36 = tpu.memref_slice %arg4[%arg1, %dma_wait3A_34, %dma_wait3A_35] : memref<16x80x125xi32, #tpu.memory_space<hbm>> -> memref<1x80x125xi32, #tpu.memory_space<hbm>>
      %dma_wait3A_37 = tpu.memref_squeeze %dma_wait3A_36 : memref<1x80x125xi32, #tpu.memory_space<hbm>> -> memref<80x125xi32, #tpu.memory_space<hbm>>
      tpu.wait_dma2 semaphore(%run_scoped3A : memref<!tpu.dma_semaphore, #tpu.memory_space<semaphore_mem>>) src(%dma_wait3A_37 : memref<80x125xi32, #tpu.memory_space<hbm>>) dst(%arg12 : memref<80x125xi32, #tpu.memory_space<vmem>>)
      tpu.yield
    }) : () -> ()
    "tpu.region"() ({
      %run_scoped3A = tpu.sem_alloc : memref<!tpu.dma_semaphore, #tpu.memory_space<semaphore_mem>>
      %dma_start3A = arith.constant 0 : i32
      %dma_start3A_24 = arith.constant 0 : i32
      %dma_start3A_25 = tpu.memref_slice %arg5[%arg1, %dma_start3A, %dma_start3A_24] : memref<16x80x125xi32, #tpu.memory_space<hbm>> -> memref<1x80x125xi32, #tpu.memory_space<hbm>>
      %dma_start3A_26 = tpu.memref_squeeze %dma_start3A_25 : memref<1x80x125xi32, #tpu.memory_space<hbm>> -> memref<80x125xi32, #tpu.memory_space<hbm>>
      %dma_start3A_27 = arith.constant 0 : i32
      %dma_start3A_28 = arith.constant 0 : i32
      %dma_start3A_29 = tpu.memref_slice %arg5[%arg1, %dma_start3A_27, %dma_start3A_28] : memref<16x80x125xi32, #tpu.memory_space<hbm>> -> memref<1x80x125xi32, #tpu.memory_space<hbm>>
      %dma_start3A_30 = tpu.memref_squeeze %dma_start3A_29 : memref<1x80x125xi32, #tpu.memory_space<hbm>> -> memref<80x125xi32, #tpu.memory_space<hbm>>
      tpu.enqueue_dma source(%dma_start3A_30 : memref<80x125xi32, #tpu.memory_space<hbm>>) target(%arg13 : memref<80x125xi32, #tpu.memory_space<vmem>>) target_semaphore(%run_scoped3A : memref<!tpu.dma_semaphore, #tpu.memory_space<semaphore_mem>>)
      %dma_wait3A = arith.constant 0 : i32
      %dma_wait3A_31 = arith.constant 0 : i32
      %dma_wait3A_32 = tpu.memref_slice %arg5[%arg1, %dma_wait3A, %dma_wait3A_31] : memref<16x80x125xi32, #tpu.memory_space<hbm>> -> memref<1x80x125xi32, #tpu.memory_space<hbm>>
      %dma_wait3A_33 = tpu.memref_squeeze %dma_wait3A_32 : memref<1x80x125xi32, #tpu.memory_space<hbm>> -> memref<80x125xi32, #tpu.memory_space<hbm>>
      %dma_wait3A_34 = arith.constant 0 : i32
      %dma_wait3A_35 = arith.constant 0 : i32
      %dma_wait3A_36 = tpu.memref_slice %arg5[%arg1, %dma_wait3A_34, %dma_wait3A_35] : memref<16x80x125xi32, #tpu.memory_space<hbm>> -> memref<1x80x125xi32, #tpu.memory_space<hbm>>
      %dma_wait3A_37 = tpu.memref_squeeze %dma_wait3A_36 : memref<1x80x125xi32, #tpu.memory_space<hbm>> -> memref<80x125xi32, #tpu.memory_space<hbm>>
      tpu.wait_dma2 semaphore(%run_scoped3A : memref<!tpu.dma_semaphore, #tpu.memory_space<semaphore_mem>>) src(%dma_wait3A_37 : memref<80x125xi32, #tpu.memory_space<hbm>>) dst(%arg13 : memref<80x125xi32, #tpu.memory_space<vmem>>)
      tpu.yield
    }) : () -> ()
    "tpu.region"() ({
      %run_scoped3A = tpu.sem_alloc : memref<!tpu.dma_semaphore, #tpu.memory_space<semaphore_mem>>
      %dma_start3A = arith.constant 0 : i32
      %dma_start3A_24 = tpu.memref_slice %arg16[%mul3A_0, %dma_start3A] : memref<10240x128xf32, #tpu.memory_space<vmem_shared>> -> memref<640x128xf32, #tpu.memory_space<vmem_shared>>
      tpu.enqueue_dma source(%arg6 : memref<640x128xf32, #tpu.memory_space<hbm>>) target(%dma_start3A_24 : memref<640x128xf32, #tpu.memory_space<vmem_shared>>) target_semaphore(%run_scoped3A : memref<!tpu.dma_semaphore, #tpu.memory_space<semaphore_mem>>)
      %dma_wait3A = arith.constant 0 : i32
      %dma_wait3A_25 = tpu.memref_slice %arg16[%mul3A_0, %dma_wait3A] : memref<10240x128xf32, #tpu.memory_space<vmem_shared>> -> memref<640x128xf32, #tpu.memory_space<vmem_shared>>
      tpu.wait_dma2 semaphore(%run_scoped3A : memref<!tpu.dma_semaphore, #tpu.memory_space<semaphore_mem>>) src(%arg6 : memref<640x128xf32, #tpu.memory_space<hbm>>) dst(%dma_wait3A_25 : memref<640x128xf32, #tpu.memory_space<vmem_shared>>)
      tpu.yield
    }) : () -> ()
    %eq3A = arith.constant 0 : i32
    %eq3A_1 = arith.cmpi eq, %arg0, %eq3A : i32
    %convert_element_type3A = arith.extui %eq3A_1 : i1 to i32
    %cond3A = arith.constant 0 : i32
    %cond3A_2 = arith.cmpi ne, %convert_element_type3A, %cond3A : i32
    scf.if %cond3A_2 {
      "tpu.region"() ({
        %run_scoped3A = tpu.sem_alloc : memref<!tpu.dma_semaphore, #tpu.memory_space<semaphore_mem>>
        tpu.enqueue_dma source(%arg8 : memref<125xf32, #tpu.memory_space<hbm>>) target(%arg15 : memref<125xf32, #tpu.memory_space<vmem>>) target_semaphore(%run_scoped3A : memref<!tpu.dma_semaphore, #tpu.memory_space<semaphore_mem>>)
        tpu.wait_dma2 semaphore(%run_scoped3A : memref<!tpu.dma_semaphore, #tpu.memory_space<semaphore_mem>>) src(%arg8 : memref<125xf32, #tpu.memory_space<hbm>>) dst(%arg15 : memref<125xf32, #tpu.memory_space<vmem>>)
        tpu.yield
      }) : () -> ()
      "tpu.region"() ({
        %run_scoped3A = tpu.sem_alloc : memref<!tpu.dma_semaphore, #tpu.memory_space<semaphore_mem>>
        %dma_start3A = tpu.memref_slice %arg17[%mul3A_0] : memref<10240xf32, #tpu.memory_space<vmem_shared>> -> memref<640xf32, #tpu.memory_space<vmem_shared>>
        tpu.enqueue_dma source(%arg7 : memref<640xf32, #tpu.memory_space<hbm>>) target(%dma_start3A : memref<640xf32, #tpu.memory_space<vmem_shared>>) target_semaphore(%run_scoped3A : memref<!tpu.dma_semaphore, #tpu.memory_space<semaphore_mem>>)
        %dma_wait3A = tpu.memref_slice %arg17[%mul3A_0] : memref<10240xf32, #tpu.memory_space<vmem_shared>> -> memref<640xf32, #tpu.memory_space<vmem_shared>>
        tpu.wait_dma2 semaphore(%run_scoped3A : memref<!tpu.dma_semaphore, #tpu.memory_space<semaphore_mem>>) src(%arg7 : memref<640xf32, #tpu.memory_space<hbm>>) dst(%dma_wait3A : memref<640xf32, #tpu.memory_space<vmem_shared>>)
        tpu.yield
      }) : () -> ()
    } else {
    }
    %barrier3A = arith.constant 0 : index
    tpu.barrier barrier_id(%barrier3A)
    %eq3A_3 = arith.constant 0 : i32
    %eq3A_4 = arith.cmpi eq, %arg0, %eq3A_3 : i32
    %convert_element_type3A_5 = arith.extui %eq3A_4 : i1 to i32
    %cond3A_6 = arith.constant 0 : i32
    %cond3A_7 = arith.cmpi ne, %convert_element_type3A_5, %cond3A_6 : i32
    scf.if %cond3A_7 {
      %scan3A = arith.constant 0 : i32
      %scan3A_24 = arith.constant 0 : i32
      %scan3A_25 = arith.constant 80 : i32
      %scan3A_26 = arith.addi %scan3A_24, %scan3A_25 : i32
      %scan3A_27 = arith.constant 1 : i32
      scf.for %scan3A_29 = %scan3A_24 to %scan3A_26 step %scan3A_27  : i32 {
        %dma_start3A = arith.constant 0 : i32
        %dma_start3A_30 = tpu.memref_slice %arg12[%scan3A_29, %dma_start3A] : memref<80x125xi32, #tpu.memory_space<vmem>> -> memref<1x125xi32, #tpu.memory_space<vmem>>
        %dma_start3A_31 = tpu.memref_squeeze %dma_start3A_30 : memref<1x125xi32, #tpu.memory_space<vmem>> -> memref<125xi32, #tpu.memory_space<vmem>>
        %dma_start3A_32 = arith.constant 0 : i32
        %dma_start3A_33 = arith.constant 0 : i32
        %dma_start3A_34 = tpu.memref_slice %arg2[%dma_start3A_32, %dma_start3A_33] : memref<10240x128xf32, #tpu.memory_space<hbm>> -> memref<10240x128xf32, #tpu.memory_space<hbm>>
        tpu.enqueue_indirect_dma source(%dma_start3A_34 : memref<10240x128xf32, #tpu.memory_space<hbm>>) target(%arg14 : memref<125x128xf32, #tpu.memory_space<vmem>>) offsets(%dma_start3A_31 : memref<125xi32, #tpu.memory_space<vmem>>) semaphore(%arg18 : memref<!tpu.dma_semaphore, #tpu.memory_space<semaphore_mem>>)
        %dma_wait3A = arith.constant 0 : i32
        %dma_wait3A_35 = tpu.memref_slice %arg12[%scan3A_29, %dma_wait3A] : memref<80x125xi32, #tpu.memory_space<vmem>> -> memref<1x125xi32, #tpu.memory_space<vmem>>
        %dma_wait3A_36 = tpu.memref_squeeze %dma_wait3A_35 : memref<1x125xi32, #tpu.memory_space<vmem>> -> memref<125xi32, #tpu.memory_space<vmem>>
        %dma_wait3A_37 = arith.constant 0 : i32
        %dma_wait3A_38 = arith.constant 0 : i32
        %dma_wait3A_39 = tpu.memref_slice %arg2[%dma_wait3A_37, %dma_wait3A_38] : memref<10240x128xf32, #tpu.memory_space<hbm>> -> memref<10240x128xf32, #tpu.memory_space<hbm>>
        tpu.wait_indirect_dma semaphore(%arg18 : memref<!tpu.dma_semaphore, #tpu.memory_space<semaphore_mem>>) src(%dma_wait3A_39 : memref<10240x128xf32, #tpu.memory_space<hbm>>) dst(%arg14 : memref<125x128xf32, #tpu.memory_space<vmem>>)
        "tpu.region"() ({
          %run_scoped3A = tpu.sem_alloc : memref<!tpu.dma_semaphore, #tpu.memory_space<semaphore_mem>>
          %dma_start3A_45 = arith.constant 0 : i32
          %dma_start3A_46 = tpu.memref_slice %arg13[%scan3A_29, %dma_start3A_45] : memref<80x125xi32, #tpu.memory_space<vmem>> -> memref<1x125xi32, #tpu.memory_space<vmem>>
          %dma_start3A_47 = tpu.memref_squeeze %dma_start3A_46 : memref<1x125xi32, #tpu.memory_space<vmem>> -> memref<125xi32, #tpu.memory_space<vmem>>
          %dma_start3A_48 = arith.constant 0 : i32
          %dma_start3A_49 = arith.constant 0 : i32
          %dma_start3A_50 = tpu.memref_slice %arg16[%dma_start3A_48, %dma_start3A_49] : memref<10240x128xf32, #tpu.memory_space<vmem_shared>> -> memref<10240x128xf32, #tpu.memory_space<vmem_shared>>
          tpu.enqueue_indirect_dma source(%arg14 : memref<125x128xf32, #tpu.memory_space<vmem>>) target(%dma_start3A_50 : memref<10240x128xf32, #tpu.memory_space<vmem_shared>>) offsets(%dma_start3A_47 : memref<125xi32, #tpu.memory_space<vmem>>) semaphore(%run_scoped3A : memref<!tpu.dma_semaphore, #tpu.memory_space<semaphore_mem>>) {add = true}
          %dma_wait3A_51 = arith.constant 0 : i32
          %dma_wait3A_52 = tpu.memref_slice %arg13[%scan3A_29, %dma_wait3A_51] : memref<80x125xi32, #tpu.memory_space<vmem>> -> memref<1x125xi32, #tpu.memory_space<vmem>>
          %dma_wait3A_53 = tpu.memref_squeeze %dma_wait3A_52 : memref<1x125xi32, #tpu.memory_space<vmem>> -> memref<125xi32, #tpu.memory_space<vmem>>
          %dma_wait3A_54 = arith.constant 0 : i32
          %dma_wait3A_55 = arith.constant 0 : i32
          %dma_wait3A_56 = tpu.memref_slice %arg16[%dma_wait3A_54, %dma_wait3A_55] : memref<10240x128xf32, #tpu.memory_space<vmem_shared>> -> memref<10240x128xf32, #tpu.memory_space<vmem_shared>>
          tpu.wait_indirect_dma semaphore(%run_scoped3A : memref<!tpu.dma_semaphore, #tpu.memory_space<semaphore_mem>>) src(%arg14 : memref<125x128xf32, #tpu.memory_space<vmem>>) dst(%dma_wait3A_56 : memref<10240x128xf32, #tpu.memory_space<vmem_shared>>)
          tpu.yield
        }) : () -> ()
        %eq3A_40 = arith.constant 0 : i32
        %eq3A_41 = arith.cmpi eq, %arg0, %eq3A_40 : i32
        %convert_element_type3A_42 = arith.extui %eq3A_41 : i1 to i32
        %cond3A_43 = arith.constant 0 : i32
        %cond3A_44 = arith.cmpi ne, %convert_element_type3A_42, %cond3A_43 : i32
        scf.if %cond3A_44 {
          "tpu.region"() ({
            %run_scoped3A = tpu.sem_alloc : memref<!tpu.dma_semaphore, #tpu.memory_space<semaphore_mem>>
            %dma_start3A_45 = arith.constant 0 : i32
            %dma_start3A_46 = tpu.memref_slice %arg13[%scan3A_29, %dma_start3A_45] : memref<80x125xi32, #tpu.memory_space<vmem>> -> memref<1x125xi32, #tpu.memory_space<vmem>>
            %dma_start3A_47 = tpu.memref_squeeze %dma_start3A_46 : memref<1x125xi32, #tpu.memory_space<vmem>> -> memref<125xi32, #tpu.memory_space<vmem>>
            %dma_start3A_48 = arith.constant 0 : i32
            %dma_start3A_49 = tpu.memref_slice %arg17[%dma_start3A_48] : memref<10240xf32, #tpu.memory_space<vmem_shared>> -> memref<10240xf32, #tpu.memory_space<vmem_shared>>
            tpu.enqueue_indirect_dma source(%arg15 : memref<125xf32, #tpu.memory_space<vmem>>) target(%dma_start3A_49 : memref<10240xf32, #tpu.memory_space<vmem_shared>>) offsets(%dma_start3A_47 : memref<125xi32, #tpu.memory_space<vmem>>) semaphore(%run_scoped3A : memref<!tpu.dma_semaphore, #tpu.memory_space<semaphore_mem>>) {add = true}
            %dma_wait3A_50 = arith.constant 0 : i32
            %dma_wait3A_51 = tpu.memref_slice %arg13[%scan3A_29, %dma_wait3A_50] : memref<80x125xi32, #tpu.memory_space<vmem>> -> memref<1x125xi32, #tpu.memory_space<vmem>>
            %dma_wait3A_52 = tpu.memref_squeeze %dma_wait3A_51 : memref<1x125xi32, #tpu.memory_space<vmem>> -> memref<125xi32, #tpu.memory_space<vmem>>
            %dma_wait3A_53 = arith.constant 0 : i32
            %dma_wait3A_54 = tpu.memref_slice %arg17[%dma_wait3A_53] : memref<10240xf32, #tpu.memory_space<vmem_shared>> -> memref<10240xf32, #tpu.memory_space<vmem_shared>>
            tpu.wait_indirect_dma semaphore(%run_scoped3A : memref<!tpu.dma_semaphore, #tpu.memory_space<semaphore_mem>>) src(%arg15 : memref<125xf32, #tpu.memory_space<vmem>>) dst(%dma_wait3A_54 : memref<10240xf32, #tpu.memory_space<vmem_shared>>)
            tpu.yield
          }) : () -> ()
        } else {
        }
      }
      %scan3A_28 = arith.constant 80 : i32
    } else {
    }
    %eq3A_8 = arith.constant 1 : i32
    %eq3A_9 = arith.cmpi eq, %arg0, %eq3A_8 : i32
    %convert_element_type3A_10 = arith.extui %eq3A_9 : i1 to i32
    %cond3A_11 = arith.constant 0 : i32
    %cond3A_12 = arith.cmpi ne, %convert_element_type3A_10, %cond3A_11 : i32
    scf.if %cond3A_12 {
      %scan3A = arith.constant 0 : i32
      %scan3A_24 = arith.constant 0 : i32
      %scan3A_25 = arith.constant 80 : i32
      %scan3A_26 = arith.addi %scan3A_24, %scan3A_25 : i32
      %scan3A_27 = arith.constant 1 : i32
      scf.for %scan3A_29 = %scan3A_24 to %scan3A_26 step %scan3A_27  : i32 {
        %dma_start3A = arith.constant 0 : i32
        %dma_start3A_30 = tpu.memref_slice %arg12[%scan3A_29, %dma_start3A] : memref<80x125xi32, #tpu.memory_space<vmem>> -> memref<1x125xi32, #tpu.memory_space<vmem>>
        %dma_start3A_31 = tpu.memref_squeeze %dma_start3A_30 : memref<1x125xi32, #tpu.memory_space<vmem>> -> memref<125xi32, #tpu.memory_space<vmem>>
        %dma_start3A_32 = arith.constant 0 : i32
        %dma_start3A_33 = arith.constant 0 : i32
        %dma_start3A_34 = tpu.memref_slice %arg3[%dma_start3A_32, %dma_start3A_33] : memref<10240x128xf32, #tpu.memory_space<hbm>> -> memref<10240x128xf32, #tpu.memory_space<hbm>>
        tpu.enqueue_indirect_dma source(%dma_start3A_34 : memref<10240x128xf32, #tpu.memory_space<hbm>>) target(%arg14 : memref<125x128xf32, #tpu.memory_space<vmem>>) offsets(%dma_start3A_31 : memref<125xi32, #tpu.memory_space<vmem>>) semaphore(%arg18 : memref<!tpu.dma_semaphore, #tpu.memory_space<semaphore_mem>>)
        %dma_wait3A = arith.constant 0 : i32
        %dma_wait3A_35 = tpu.memref_slice %arg12[%scan3A_29, %dma_wait3A] : memref<80x125xi32, #tpu.memory_space<vmem>> -> memref<1x125xi32, #tpu.memory_space<vmem>>
        %dma_wait3A_36 = tpu.memref_squeeze %dma_wait3A_35 : memref<1x125xi32, #tpu.memory_space<vmem>> -> memref<125xi32, #tpu.memory_space<vmem>>
        %dma_wait3A_37 = arith.constant 0 : i32
        %dma_wait3A_38 = arith.constant 0 : i32
        %dma_wait3A_39 = tpu.memref_slice %arg3[%dma_wait3A_37, %dma_wait3A_38] : memref<10240x128xf32, #tpu.memory_space<hbm>> -> memref<10240x128xf32, #tpu.memory_space<hbm>>
        tpu.wait_indirect_dma semaphore(%arg18 : memref<!tpu.dma_semaphore, #tpu.memory_space<semaphore_mem>>) src(%dma_wait3A_39 : memref<10240x128xf32, #tpu.memory_space<hbm>>) dst(%arg14 : memref<125x128xf32, #tpu.memory_space<vmem>>)
        "tpu.region"() ({
          %run_scoped3A = tpu.sem_alloc : memref<!tpu.dma_semaphore, #tpu.memory_space<semaphore_mem>>
          %dma_start3A_45 = arith.constant 0 : i32
          %dma_start3A_46 = tpu.memref_slice %arg13[%scan3A_29, %dma_start3A_45] : memref<80x125xi32, #tpu.memory_space<vmem>> -> memref<1x125xi32, #tpu.memory_space<vmem>>
          %dma_start3A_47 = tpu.memref_squeeze %dma_start3A_46 : memref<1x125xi32, #tpu.memory_space<vmem>> -> memref<125xi32, #tpu.memory_space<vmem>>
          %dma_start3A_48 = arith.constant 0 : i32
          %dma_start3A_49 = arith.constant 0 : i32
          %dma_start3A_50 = tpu.memref_slice %arg16[%dma_start3A_48, %dma_start3A_49] : memref<10240x128xf32, #tpu.memory_space<vmem_shared>> -> memref<10240x128xf32, #tpu.memory_space<vmem_shared>>
          tpu.enqueue_indirect_dma source(%arg14 : memref<125x128xf32, #tpu.memory_space<vmem>>) target(%dma_start3A_50 : memref<10240x128xf32, #tpu.memory_space<vmem_shared>>) offsets(%dma_start3A_47 : memref<125xi32, #tpu.memory_space<vmem>>) semaphore(%run_scoped3A : memref<!tpu.dma_semaphore, #tpu.memory_space<semaphore_mem>>) {add = true}
          %dma_wait3A_51 = arith.constant 0 : i32
          %dma_wait3A_52 = tpu.memref_slice %arg13[%scan3A_29, %dma_wait3A_51] : memref<80x125xi32, #tpu.memory_space<vmem>> -> memref<1x125xi32, #tpu.memory_space<vmem>>
          %dma_wait3A_53 = tpu.memref_squeeze %dma_wait3A_52 : memref<1x125xi32, #tpu.memory_space<vmem>> -> memref<125xi32, #tpu.memory_space<vmem>>
          %dma_wait3A_54 = arith.constant 0 : i32
          %dma_wait3A_55 = arith.constant 0 : i32
          %dma_wait3A_56 = tpu.memref_slice %arg16[%dma_wait3A_54, %dma_wait3A_55] : memref<10240x128xf32, #tpu.memory_space<vmem_shared>> -> memref<10240x128xf32, #tpu.memory_space<vmem_shared>>
          tpu.wait_indirect_dma semaphore(%run_scoped3A : memref<!tpu.dma_semaphore, #tpu.memory_space<semaphore_mem>>) src(%arg14 : memref<125x128xf32, #tpu.memory_space<vmem>>) dst(%dma_wait3A_56 : memref<10240x128xf32, #tpu.memory_space<vmem_shared>>)
          tpu.yield
        }) : () -> ()
        %eq3A_40 = arith.constant 0 : i32
        %eq3A_41 = arith.cmpi eq, %arg0, %eq3A_40 : i32
        %convert_element_type3A_42 = arith.extui %eq3A_41 : i1 to i32
        %cond3A_43 = arith.constant 0 : i32
        %cond3A_44 = arith.cmpi ne, %convert_element_type3A_42, %cond3A_43 : i32
        scf.if %cond3A_44 {
          "tpu.region"() ({
            %run_scoped3A = tpu.sem_alloc : memref<!tpu.dma_semaphore, #tpu.memory_space<semaphore_mem>>
            %dma_start3A_45 = arith.constant 0 : i32
            %dma_start3A_46 = tpu.memref_slice %arg13[%scan3A_29, %dma_start3A_45] : memref<80x125xi32, #tpu.memory_space<vmem>> -> memref<1x125xi32, #tpu.memory_space<vmem>>
            %dma_start3A_47 = tpu.memref_squeeze %dma_start3A_46 : memref<1x125xi32, #tpu.memory_space<vmem>> -> memref<125xi32, #tpu.memory_space<vmem>>
            %dma_start3A_48 = arith.constant 0 : i32
            %dma_start3A_49 = tpu.memref_slice %arg17[%dma_start3A_48] : memref<10240xf32, #tpu.memory_space<vmem_shared>> -> memref<10240xf32, #tpu.memory_space<vmem_shared>>
            tpu.enqueue_indirect_dma source(%arg15 : memref<125xf32, #tpu.memory_space<vmem>>) target(%dma_start3A_49 : memref<10240xf32, #tpu.memory_space<vmem_shared>>) offsets(%dma_start3A_47 : memref<125xi32, #tpu.memory_space<vmem>>) semaphore(%run_scoped3A : memref<!tpu.dma_semaphore, #tpu.memory_space<semaphore_mem>>) {add = true}
            %dma_wait3A_50 = arith.constant 0 : i32
            %dma_wait3A_51 = tpu.memref_slice %arg13[%scan3A_29, %dma_wait3A_50] : memref<80x125xi32, #tpu.memory_space<vmem>> -> memref<1x125xi32, #tpu.memory_space<vmem>>
            %dma_wait3A_52 = tpu.memref_squeeze %dma_wait3A_51 : memref<1x125xi32, #tpu.memory_space<vmem>> -> memref<125xi32, #tpu.memory_space<vmem>>
            %dma_wait3A_53 = arith.constant 0 : i32
            %dma_wait3A_54 = tpu.memref_slice %arg17[%dma_wait3A_53] : memref<10240xf32, #tpu.memory_space<vmem_shared>> -> memref<10240xf32, #tpu.memory_space<vmem_shared>>
            tpu.wait_indirect_dma semaphore(%run_scoped3A : memref<!tpu.dma_semaphore, #tpu.memory_space<semaphore_mem>>) src(%arg15 : memref<125xf32, #tpu.memory_space<vmem>>) dst(%dma_wait3A_54 : memref<10240xf32, #tpu.memory_space<vmem_shared>>)
            tpu.yield
          }) : () -> ()
        } else {
        }
      }
      %scan3A_28 = arith.constant 80 : i32
    } else {
    }
    %barrier3A_13 = arith.constant 0 : index
    tpu.barrier barrier_id(%barrier3A_13)
    %eq3A_14 = arith.constant 0 : i32
    %eq3A_15 = arith.cmpi eq, %arg0, %eq3A_14 : i32
    %convert_element_type3A_16 = arith.extui %eq3A_15 : i1 to i32
    %cond3A_17 = arith.constant 0 : i32
    %cond3A_18 = arith.cmpi ne, %convert_element_type3A_16, %cond3A_17 : i32
    scf.if %cond3A_18 {
      "tpu.region"() ({
        %run_scoped3A = tpu.sem_alloc : memref<!tpu.dma_semaphore, #tpu.memory_space<semaphore_mem>>
        %dma_start3A = arith.constant 0 : i32
        %dma_start3A_24 = tpu.memref_slice %arg9[%mul3A_0, %dma_start3A] : memref<10240x128xf32, #tpu.memory_space<hbm>> -> memref<640x128xf32, #tpu.memory_space<hbm>>
        %dma_start3A_25 = arith.constant 0 : i32
        %dma_start3A_26 = tpu.memref_slice %arg16[%mul3A_0, %dma_start3A_25] : memref<10240x128xf32, #tpu.memory_space<vmem_shared>> -> memref<640x128xf32, #tpu.memory_space<vmem_shared>>
        tpu.enqueue_dma source(%dma_start3A_26 : memref<640x128xf32, #tpu.memory_space<vmem_shared>>) target(%dma_start3A_24 : memref<640x128xf32, #tpu.memory_space<hbm>>) target_semaphore(%run_scoped3A : memref<!tpu.dma_semaphore, #tpu.memory_space<semaphore_mem>>)
        %dma_wait3A = arith.constant 0 : i32
        %dma_wait3A_27 = tpu.memref_slice %arg9[%mul3A_0, %dma_wait3A] : memref<10240x128xf32, #tpu.memory_space<hbm>> -> memref<640x128xf32, #tpu.memory_space<hbm>>
        %dma_wait3A_28 = arith.constant 0 : i32
        %dma_wait3A_29 = tpu.memref_slice %arg16[%mul3A_0, %dma_wait3A_28] : memref<10240x128xf32, #tpu.memory_space<vmem_shared>> -> memref<640x128xf32, #tpu.memory_space<vmem_shared>>
        tpu.wait_dma2 semaphore(%run_scoped3A : memref<!tpu.dma_semaphore, #tpu.memory_space<semaphore_mem>>) src(%dma_wait3A_29 : memref<640x128xf32, #tpu.memory_space<vmem_shared>>) dst(%dma_wait3A_27 : memref<640x128xf32, #tpu.memory_space<hbm>>)
        tpu.yield
      }) : () -> ()
      "tpu.region"() ({
        %run_scoped3A = tpu.sem_alloc : memref<!tpu.dma_semaphore, #tpu.memory_space<semaphore_mem>>
        %dma_start3A = tpu.memref_slice %arg11[%mul3A_0] : memref<10240xf32, #tpu.memory_space<hbm>> -> memref<640xf32, #tpu.memory_space<hbm>>
        %dma_start3A_24 = tpu.memref_slice %arg17[%mul3A_0] : memref<10240xf32, #tpu.memory_space<vmem_shared>> -> memref<640xf32, #tpu.memory_space<vmem_shared>>
        tpu.enqueue_dma source(%dma_start3A_24 : memref<640xf32, #tpu.memory_space<vmem_shared>>) target(%dma_start3A : memref<640xf32, #tpu.memory_space<hbm>>) target_semaphore(%run_scoped3A : memref<!tpu.dma_semaphore, #tpu.memory_space<semaphore_mem>>)
        %dma_wait3A = tpu.memref_slice %arg11[%mul3A_0] : memref<10240xf32, #tpu.memory_space<hbm>> -> memref<640xf32, #tpu.memory_space<hbm>>
        %dma_wait3A_25 = tpu.memref_slice %arg17[%mul3A_0] : memref<10240xf32, #tpu.memory_space<vmem_shared>> -> memref<640xf32, #tpu.memory_space<vmem_shared>>
        tpu.wait_dma2 semaphore(%run_scoped3A : memref<!tpu.dma_semaphore, #tpu.memory_space<semaphore_mem>>) src(%dma_wait3A_25 : memref<640xf32, #tpu.memory_space<vmem_shared>>) dst(%dma_wait3A : memref<640xf32, #tpu.memory_space<hbm>>)
        tpu.yield
      }) : () -> ()
    } else {
    }
    %eq3A_19 = arith.constant 1 : i32
    %eq3A_20 = arith.cmpi eq, %arg0, %eq3A_19 : i32
    %convert_element_type3A_21 = arith.extui %eq3A_20 : i1 to i32
    %cond3A_22 = arith.constant 0 : i32
    %cond3A_23 = arith.cmpi ne, %convert_element_type3A_21, %cond3A_22 : i32
    scf.if %cond3A_23 {
      "tpu.region"() ({
        %run_scoped3A = tpu.sem_alloc : memref<!tpu.dma_semaphore, #tpu.memory_space<semaphore_mem>>
        %dma_start3A = arith.constant 0 : i32
        %dma_start3A_24 = tpu.memref_slice %arg10[%mul3A_0, %dma_start3A] : memref<10240x128xf32, #tpu.memory_space<hbm>> -> memref<640x128xf32, #tpu.memory_space<hbm>>
        %dma_start3A_25 = arith.constant 0 : i32
        %dma_start3A_26 = tpu.memref_slice %arg16[%mul3A_0, %dma_start3A_25] : memref<10240x128xf32, #tpu.memory_space<vmem_shared>> -> memref<640x128xf32, #tpu.memory_space<vmem_shared>>
        tpu.enqueue_dma source(%dma_start3A_26 : memref<640x128xf32, #tpu.memory_space<vmem_shared>>) target(%dma_start3A_24 : memref<640x128xf32, #tpu.memory_space<hbm>>) target_semaphore(%run_scoped3A : memref<!tpu.dma_semaphore, #tpu.memory_space<semaphore_mem>>)
        %dma_wait3A = arith.constant 0 : i32
        %dma_wait3A_27 = tpu.memref_slice %arg10[%mul3A_0, %dma_wait3A] : memref<10240x128xf32, #tpu.memory_space<hbm>> -> memref<640x128xf32, #tpu.memory_space<hbm>>
        %dma_wait3A_28 = arith.constant 0 : i32
        %dma_wait3A_29 = tpu.memref_slice %arg16[%mul3A_0, %dma_wait3A_28] : memref<10240x128xf32, #tpu.memory_space<vmem_shared>> -> memref<640x128xf32, #tpu.memory_space<vmem_shared>>
        tpu.wait_dma2 semaphore(%run_scoped3A : memref<!tpu.dma_semaphore, #tpu.memory_space<semaphore_mem>>) src(%dma_wait3A_29 : memref<640x128xf32, #tpu.memory_space<vmem_shared>>) dst(%dma_wait3A_27 : memref<640x128xf32, #tpu.memory_space<hbm>>)
        tpu.yield
      }) : () -> ()
    } else {
    }
    return
  }
}

module attributes {stable_mosaic.version = 14 : i64} {
  func.func @body(%arg0: i32, %arg1: memref<1024x128xf32, #tpu.memory_space<vmem>>, %arg2: memref<1024x128xf32, #tpu.memory_space<vmem>>, %arg3: memref<1024x1xf32, #tpu.memory_space<vmem>>, %arg4: memref<1024x128xf32, #tpu.memory_space<vmem>>, %arg5: memref<1024x128xf32, #tpu.memory_space<vmem>>, %arg6: memref<128x256xf32, #tpu.memory_space<vmem>>, %arg7: memref<128x256xf32, #tpu.memory_space<vmem>>, %arg8: memref<1x256xf32, #tpu.memory_space<vmem>>, %arg9: memref<128x256xf32, #tpu.memory_space<vmem>>, %arg10: memref<128x256xf32, #tpu.memory_space<vmem>>, %arg11: memref<1024x128xf32, #tpu.memory_space<vmem>>, %arg12: memref<1024x128xf32, #tpu.memory_space<vmem>>) attributes {dimension_semantics = [#tpu.dimension_semantics<arbitrary>], iteration_bounds = array<i64: 10>, scalar_prefetch = 0 : i64, scratch_operands = 0 : i64, tpu.core_type = #tpu.core_type<tc>, window_params = [{transform_indices = @transform_0, window_bounds = array<i64: 1024, 128>}, {transform_indices = @transform_1, window_bounds = array<i64: 1024, 128>}, {transform_indices = @transform_2, window_bounds = array<i64: 1024, 1>}, {transform_indices = @transform_3, window_bounds = array<i64: 1024, 128>}, {transform_indices = @transform_4, window_bounds = array<i64: 1024, 128>}, {pipeline_mode = #tpu.pipeline_mode<synchronous>, transform_indices = @transform_5, window_bounds = array<i64: 128, 256>}, {pipeline_mode = #tpu.pipeline_mode<synchronous>, transform_indices = @transform_6, window_bounds = array<i64: 128, 256>}, {pipeline_mode = #tpu.pipeline_mode<synchronous>, transform_indices = @transform_7, window_bounds = array<i64: 1, 256>}, {pipeline_mode = #tpu.pipeline_mode<synchronous>, transform_indices = @transform_8, window_bounds = array<i64: 128, 256>}, {pipeline_mode = #tpu.pipeline_mode<synchronous>, transform_indices = @transform_9, window_bounds = array<i64: 128, 256>}, {transform_indices = @transform_10, window_bounds = array<i64: 1024, 128>}, {transform_indices = @transform_11, window_bounds = array<i64: 1024, 128>}]} {
    %get3A = arith.constant 0 : index
    %get3A_0 = arith.constant 0 : index
    %get3A_1 = vector.load %arg3[%get3A, %get3A_0] : memref<1024x1xf32, #tpu.memory_space<vmem>>, vector<1024x1xf32>
    %max3A = arith.constant 1.000000e+00 : f32
    %max3A_2 = vector.broadcast %max3A : f32 to vector<1024x1xf32>
    %max3A_3 = arith.maximumf %get3A_1, %max3A_2 : vector<1024x1xf32>
    %div3A = arith.constant 1.000000e+00 : f32
    %div3A_4 = vector.broadcast %div3A : f32 to vector<1024x1xf32>
    %div3A_5 = arith.divf %div3A_4, %max3A_3 : vector<1024x1xf32>
    %get3A_6 = arith.constant 0 : index
    %get3A_7 = arith.constant 0 : index
    %get3A_8 = vector.load %arg1[%get3A_6, %get3A_7] : memref<1024x128xf32, #tpu.memory_space<vmem>>, vector<1024x128xf32>
    %mul3A = vector.broadcast %div3A_5 : vector<1024x1xf32> to vector<1024x128xf32>
    %mul3A_9 = arith.mulf %get3A_8, %mul3A : vector<1024x128xf32>
    %get3A_10 = arith.constant 0 : index
    %get3A_11 = arith.constant 0 : index
    %get3A_12 = vector.load %arg6[%get3A_10, %get3A_11] : memref<128x256xf32, #tpu.memory_space<vmem>>, vector<128x256xf32>
    %dot_general3A = arith.constant dense<0.000000e+00> : vector<1024x256xf32>
    %dot_general3A_13 = tpu.matmul %mul3A_9, %get3A_12, %dot_general3A {dimension_numbers = #tpu.dot_dimension_numbers<[1], [0], [0], [1], [0, 0, 1, 1], [], []>, transpose_lhs_hint = false} : vector<1024x128xf32>, vector<128x256xf32>, vector<1024x256xf32> -> vector<1024x256xf32>
    %get3A_14 = arith.constant 0 : index
    %get3A_15 = arith.constant 0 : index
    %get3A_16 = vector.load %arg2[%get3A_14, %get3A_15] : memref<1024x128xf32, #tpu.memory_space<vmem>>, vector<1024x128xf32>
    %mul3A_17 = vector.broadcast %div3A_5 : vector<1024x1xf32> to vector<1024x128xf32>
    %mul3A_18 = arith.mulf %get3A_16, %mul3A_17 : vector<1024x128xf32>
    %get3A_19 = arith.constant 0 : index
    %get3A_20 = arith.constant 0 : index
    %get3A_21 = vector.load %arg7[%get3A_19, %get3A_20] : memref<128x256xf32, #tpu.memory_space<vmem>>, vector<128x256xf32>
    %dot_general3A_22 = arith.constant dense<0.000000e+00> : vector<1024x256xf32>
    %dot_general3A_23 = tpu.matmul %mul3A_18, %get3A_21, %dot_general3A_22 {dimension_numbers = #tpu.dot_dimension_numbers<[1], [0], [0], [1], [0, 0, 1, 1], [], []>, transpose_lhs_hint = false} : vector<1024x128xf32>, vector<128x256xf32>, vector<1024x256xf32> -> vector<1024x256xf32>
    %add3A = arith.addf %dot_general3A_13, %dot_general3A_23 : vector<1024x256xf32>
    %get3A_24 = arith.constant 0 : index
    %get3A_25 = arith.constant 0 : index
    %get3A_26 = vector.load %arg4[%get3A_24, %get3A_25] : memref<1024x128xf32, #tpu.memory_space<vmem>>, vector<1024x128xf32>
    %get3A_27 = arith.constant 0 : index
    %get3A_28 = arith.constant 0 : index
    %get3A_29 = vector.load %arg9[%get3A_27, %get3A_28] : memref<128x256xf32, #tpu.memory_space<vmem>>, vector<128x256xf32>
    %dot_general3A_30 = arith.constant dense<0.000000e+00> : vector<1024x256xf32>
    %dot_general3A_31 = tpu.matmul %get3A_26, %get3A_29, %dot_general3A_30 {dimension_numbers = #tpu.dot_dimension_numbers<[1], [0], [0], [1], [0, 0, 1, 1], [], []>, transpose_lhs_hint = false} : vector<1024x128xf32>, vector<128x256xf32>, vector<1024x256xf32> -> vector<1024x256xf32>
    %add3A_32 = arith.addf %add3A, %dot_general3A_31 : vector<1024x256xf32>
    %get3A_33 = arith.constant 0 : index
    %get3A_34 = arith.constant 0 : index
    %get3A_35 = vector.load %arg5[%get3A_33, %get3A_34] : memref<1024x128xf32, #tpu.memory_space<vmem>>, vector<1024x128xf32>
    %get3A_36 = arith.constant 0 : index
    %get3A_37 = arith.constant 0 : index
    %get3A_38 = vector.load %arg10[%get3A_36, %get3A_37] : memref<128x256xf32, #tpu.memory_space<vmem>>, vector<128x256xf32>
    %dot_general3A_39 = arith.constant dense<0.000000e+00> : vector<1024x256xf32>
    %dot_general3A_40 = tpu.matmul %get3A_35, %get3A_38, %dot_general3A_39 {dimension_numbers = #tpu.dot_dimension_numbers<[1], [0], [0], [1], [0, 0, 1, 1], [], []>, transpose_lhs_hint = false} : vector<1024x128xf32>, vector<128x256xf32>, vector<1024x256xf32> -> vector<1024x256xf32>
    %add3A_41 = arith.addf %add3A_32, %dot_general3A_40 : vector<1024x256xf32>
    %get3A_42 = arith.constant 0 : index
    %get3A_43 = arith.constant 0 : index
    %get3A_44 = vector.load %arg8[%get3A_42, %get3A_43] : memref<1x256xf32, #tpu.memory_space<vmem>>, vector<1x256xf32>
    %add3A_45 = vector.broadcast %get3A_44 : vector<1x256xf32> to vector<1024x256xf32>
    %add3A_46 = arith.addf %add3A_41, %add3A_45 : vector<1024x256xf32>
    %max3A_47 = arith.constant 0.000000e+00 : f32
    %max3A_48 = vector.broadcast %max3A_47 : f32 to vector<1024x256xf32>
    %max3A_49 = arith.maximumf %add3A_46, %max3A_48 : vector<1024x256xf32>
    %slice3A = vector.extract_strided_slice %max3A_49 {offsets = [0, 0], sizes = [1024, 128], strides = [1, 1]} : vector<1024x256xf32> to vector<1024x128xf32>
    %swap3A = arith.constant 0 : index
    %swap3A_50 = arith.constant 0 : index
    %swap3A_51 = vector.load %arg11[%swap3A, %swap3A_50] : memref<1024x128xf32, #tpu.memory_space<vmem>>, vector<1024x128xf32>
    tpu.vector_store %arg11[%swap3A, %swap3A_50], %slice3A {strides = array<i32>} : memref<1024x128xf32, #tpu.memory_space<vmem>>, vector<1024x128xf32>,
    %slice3A_52 = vector.extract_strided_slice %max3A_49 {offsets = [0, 128], sizes = [1024, 128], strides = [1, 1]} : vector<1024x256xf32> to vector<1024x128xf32>
    %swap3A_53 = arith.constant 0 : index
    %swap3A_54 = arith.constant 0 : index
    %swap3A_55 = vector.load %arg12[%swap3A_53, %swap3A_54] : memref<1024x128xf32, #tpu.memory_space<vmem>>, vector<1024x128xf32>
    tpu.vector_store %arg12[%swap3A_53, %swap3A_54], %slice3A_52 {strides = array<i32>} : memref<1024x128xf32, #tpu.memory_space<vmem>>, vector<1024x128xf32>,
    return
  }
  func.func @transform_0(%arg0: i32) -> (i32, i32) {
    %c0_i32 = arith.constant 0 : i32
    %c0_i32_0 = arith.constant 0 : i32
    return %arg0, %c0_i32 : i32, i32
  }
  func.func @transform_1(%arg0: i32) -> (i32, i32) {
    %c0_i32 = arith.constant 0 : i32
    %c0_i32_0 = arith.constant 0 : i32
    return %arg0, %c0_i32 : i32, i32
  }
  func.func @transform_2(%arg0: i32) -> (i32, i32) {
    %c0_i32 = arith.constant 0 : i32
    %c0_i32_0 = arith.constant 0 : i32
    return %arg0, %c0_i32 : i32, i32
  }
  func.func @transform_3(%arg0: i32) -> (i32, i32) {
    %c0_i32 = arith.constant 0 : i32
    %c0_i32_0 = arith.constant 0 : i32
    return %arg0, %c0_i32 : i32, i32
  }
  func.func @transform_4(%arg0: i32) -> (i32, i32) {
    %c0_i32 = arith.constant 0 : i32
    %c0_i32_0 = arith.constant 0 : i32
    return %arg0, %c0_i32 : i32, i32
  }
  func.func @transform_5(%arg0: i32) -> (i32, i32) {
    %c0_i32 = arith.constant 0 : i32
    %c0_i32_0 = arith.constant 0 : i32
    %c0_i32_1 = arith.constant 0 : i32
    return %c0_i32, %c0_i32_0 : i32, i32
  }
  func.func @transform_6(%arg0: i32) -> (i32, i32) {
    %c0_i32 = arith.constant 0 : i32
    %c0_i32_0 = arith.constant 0 : i32
    %c0_i32_1 = arith.constant 0 : i32
    return %c0_i32, %c0_i32_0 : i32, i32
  }
  func.func @transform_7(%arg0: i32) -> (i32, i32) {
    %c0_i32 = arith.constant 0 : i32
    %c0_i32_0 = arith.constant 0 : i32
    %c0_i32_1 = arith.constant 0 : i32
    return %c0_i32, %c0_i32_0 : i32, i32
  }
  func.func @transform_8(%arg0: i32) -> (i32, i32) {
    %c0_i32 = arith.constant 0 : i32
    %c0_i32_0 = arith.constant 0 : i32
    %c0_i32_1 = arith.constant 0 : i32
    return %c0_i32, %c0_i32_0 : i32, i32
  }
  func.func @transform_9(%arg0: i32) -> (i32, i32) {
    %c0_i32 = arith.constant 0 : i32
    %c0_i32_0 = arith.constant 0 : i32
    %c0_i32_1 = arith.constant 0 : i32
    return %c0_i32, %c0_i32_0 : i32, i32
  }
  func.func @transform_10(%arg0: i32) -> (i32, i32) {
    %c0_i32 = arith.constant 0 : i32
    %c0_i32_0 = arith.constant 0 : i32
    return %arg0, %c0_i32 : i32, i32
  }
  func.func @transform_11(%arg0: i32) -> (i32, i32) {
    %c0_i32 = arith.constant 0 : i32
    %c0_i32_0 = arith.constant 0 : i32
    return %arg0, %c0_i32 : i32, i32
  }
}

module attributes {stable_mosaic.version = 14 : i64} {
  func.func @body(%arg0: i32, %arg1: memref<1024x128xf32, #tpu.memory_space<vmem>>, %arg2: memref<1024x128xf32, #tpu.memory_space<vmem>>, %arg3: memref<1024x1xf32, #tpu.memory_space<vmem>>, %arg4: memref<1024x128xf32, #tpu.memory_space<vmem>>, %arg5: memref<1024x128xf32, #tpu.memory_space<vmem>>, %arg6: memref<128x256xf32, #tpu.memory_space<vmem>>, %arg7: memref<128x256xf32, #tpu.memory_space<vmem>>, %arg8: memref<1x256xf32, #tpu.memory_space<vmem>>, %arg9: memref<128x256xf32, #tpu.memory_space<vmem>>, %arg10: memref<128x256xf32, #tpu.memory_space<vmem>>, %arg11: memref<1024x256xf32, #tpu.memory_space<vmem>>) attributes {dimension_semantics = [#tpu.dimension_semantics<arbitrary>], iteration_bounds = array<i64: 10>, scalar_prefetch = 0 : i64, scratch_operands = 0 : i64, tpu.core_type = #tpu.core_type<tc>, window_params = [{transform_indices = @transform_0, window_bounds = array<i64: 1024, 128>}, {transform_indices = @transform_1, window_bounds = array<i64: 1024, 128>}, {transform_indices = @transform_2, window_bounds = array<i64: 1024, 1>}, {transform_indices = @transform_3, window_bounds = array<i64: 1024, 128>}, {transform_indices = @transform_4, window_bounds = array<i64: 1024, 128>}, {pipeline_mode = #tpu.pipeline_mode<synchronous>, transform_indices = @transform_5, window_bounds = array<i64: 128, 256>}, {pipeline_mode = #tpu.pipeline_mode<synchronous>, transform_indices = @transform_6, window_bounds = array<i64: 128, 256>}, {pipeline_mode = #tpu.pipeline_mode<synchronous>, transform_indices = @transform_7, window_bounds = array<i64: 1, 256>}, {pipeline_mode = #tpu.pipeline_mode<synchronous>, transform_indices = @transform_8, window_bounds = array<i64: 128, 256>}, {pipeline_mode = #tpu.pipeline_mode<synchronous>, transform_indices = @transform_9, window_bounds = array<i64: 128, 256>}, {transform_indices = @transform_10, window_bounds = array<i64: 1024, 256>}]} {
    %get3A = arith.constant 0 : index
    %get3A_0 = arith.constant 0 : index
    %get3A_1 = vector.load %arg3[%get3A, %get3A_0] : memref<1024x1xf32, #tpu.memory_space<vmem>>, vector<1024x1xf32>
    %max3A = arith.constant 1.000000e+00 : f32
    %max3A_2 = vector.broadcast %max3A : f32 to vector<1024x1xf32>
    %max3A_3 = arith.maximumf %get3A_1, %max3A_2 : vector<1024x1xf32>
    %div3A = arith.constant 1.000000e+00 : f32
    %div3A_4 = vector.broadcast %div3A : f32 to vector<1024x1xf32>
    %div3A_5 = arith.divf %div3A_4, %max3A_3 : vector<1024x1xf32>
    %get3A_6 = arith.constant 0 : index
    %get3A_7 = arith.constant 0 : index
    %get3A_8 = vector.load %arg1[%get3A_6, %get3A_7] : memref<1024x128xf32, #tpu.memory_space<vmem>>, vector<1024x128xf32>
    %mul3A = vector.broadcast %div3A_5 : vector<1024x1xf32> to vector<1024x128xf32>
    %mul3A_9 = arith.mulf %get3A_8, %mul3A : vector<1024x128xf32>
    %get3A_10 = arith.constant 0 : index
    %get3A_11 = arith.constant 0 : index
    %get3A_12 = vector.load %arg6[%get3A_10, %get3A_11] : memref<128x256xf32, #tpu.memory_space<vmem>>, vector<128x256xf32>
    %dot_general3A = arith.constant dense<0.000000e+00> : vector<1024x256xf32>
    %dot_general3A_13 = tpu.matmul %mul3A_9, %get3A_12, %dot_general3A {dimension_numbers = #tpu.dot_dimension_numbers<[1], [0], [0], [1], [0, 0, 1, 1], [], []>, transpose_lhs_hint = false} : vector<1024x128xf32>, vector<128x256xf32>, vector<1024x256xf32> -> vector<1024x256xf32>
    %get3A_14 = arith.constant 0 : index
    %get3A_15 = arith.constant 0 : index
    %get3A_16 = vector.load %arg2[%get3A_14, %get3A_15] : memref<1024x128xf32, #tpu.memory_space<vmem>>, vector<1024x128xf32>
    %mul3A_17 = vector.broadcast %div3A_5 : vector<1024x1xf32> to vector<1024x128xf32>
    %mul3A_18 = arith.mulf %get3A_16, %mul3A_17 : vector<1024x128xf32>
    %get3A_19 = arith.constant 0 : index
    %get3A_20 = arith.constant 0 : index
    %get3A_21 = vector.load %arg7[%get3A_19, %get3A_20] : memref<128x256xf32, #tpu.memory_space<vmem>>, vector<128x256xf32>
    %dot_general3A_22 = arith.constant dense<0.000000e+00> : vector<1024x256xf32>
    %dot_general3A_23 = tpu.matmul %mul3A_18, %get3A_21, %dot_general3A_22 {dimension_numbers = #tpu.dot_dimension_numbers<[1], [0], [0], [1], [0, 0, 1, 1], [], []>, transpose_lhs_hint = false} : vector<1024x128xf32>, vector<128x256xf32>, vector<1024x256xf32> -> vector<1024x256xf32>
    %add3A = arith.addf %dot_general3A_13, %dot_general3A_23 : vector<1024x256xf32>
    %get3A_24 = arith.constant 0 : index
    %get3A_25 = arith.constant 0 : index
    %get3A_26 = vector.load %arg4[%get3A_24, %get3A_25] : memref<1024x128xf32, #tpu.memory_space<vmem>>, vector<1024x128xf32>
    %get3A_27 = arith.constant 0 : index
    %get3A_28 = arith.constant 0 : index
    %get3A_29 = vector.load %arg9[%get3A_27, %get3A_28] : memref<128x256xf32, #tpu.memory_space<vmem>>, vector<128x256xf32>
    %dot_general3A_30 = arith.constant dense<0.000000e+00> : vector<1024x256xf32>
    %dot_general3A_31 = tpu.matmul %get3A_26, %get3A_29, %dot_general3A_30 {dimension_numbers = #tpu.dot_dimension_numbers<[1], [0], [0], [1], [0, 0, 1, 1], [], []>, transpose_lhs_hint = false} : vector<1024x128xf32>, vector<128x256xf32>, vector<1024x256xf32> -> vector<1024x256xf32>
    %add3A_32 = arith.addf %add3A, %dot_general3A_31 : vector<1024x256xf32>
    %get3A_33 = arith.constant 0 : index
    %get3A_34 = arith.constant 0 : index
    %get3A_35 = vector.load %arg5[%get3A_33, %get3A_34] : memref<1024x128xf32, #tpu.memory_space<vmem>>, vector<1024x128xf32>
    %get3A_36 = arith.constant 0 : index
    %get3A_37 = arith.constant 0 : index
    %get3A_38 = vector.load %arg10[%get3A_36, %get3A_37] : memref<128x256xf32, #tpu.memory_space<vmem>>, vector<128x256xf32>
    %dot_general3A_39 = arith.constant dense<0.000000e+00> : vector<1024x256xf32>
    %dot_general3A_40 = tpu.matmul %get3A_35, %get3A_38, %dot_general3A_39 {dimension_numbers = #tpu.dot_dimension_numbers<[1], [0], [0], [1], [0, 0, 1, 1], [], []>, transpose_lhs_hint = false} : vector<1024x128xf32>, vector<128x256xf32>, vector<1024x256xf32> -> vector<1024x256xf32>
    %add3A_41 = arith.addf %add3A_32, %dot_general3A_40 : vector<1024x256xf32>
    %get3A_42 = arith.constant 0 : index
    %get3A_43 = arith.constant 0 : index
    %get3A_44 = vector.load %arg8[%get3A_42, %get3A_43] : memref<1x256xf32, #tpu.memory_space<vmem>>, vector<1x256xf32>
    %add3A_45 = vector.broadcast %get3A_44 : vector<1x256xf32> to vector<1024x256xf32>
    %add3A_46 = arith.addf %add3A_41, %add3A_45 : vector<1024x256xf32>
    %swap3A = arith.constant 0 : index
    %swap3A_47 = arith.constant 0 : index
    %swap3A_48 = vector.load %arg11[%swap3A, %swap3A_47] : memref<1024x256xf32, #tpu.memory_space<vmem>>, vector<1024x256xf32>
    tpu.vector_store %arg11[%swap3A, %swap3A_47], %add3A_46 {strides = array<i32>} : memref<1024x256xf32, #tpu.memory_space<vmem>>, vector<1024x256xf32>,
    return
  }
  func.func @transform_0(%arg0: i32) -> (i32, i32) {
    %c0_i32 = arith.constant 0 : i32
    %c0_i32_0 = arith.constant 0 : i32
    return %arg0, %c0_i32 : i32, i32
  }
  func.func @transform_1(%arg0: i32) -> (i32, i32) {
    %c0_i32 = arith.constant 0 : i32
    %c0_i32_0 = arith.constant 0 : i32
    return %arg0, %c0_i32 : i32, i32
  }
  func.func @transform_2(%arg0: i32) -> (i32, i32) {
    %c0_i32 = arith.constant 0 : i32
    %c0_i32_0 = arith.constant 0 : i32
    return %arg0, %c0_i32 : i32, i32
  }
  func.func @transform_3(%arg0: i32) -> (i32, i32) {
    %c0_i32 = arith.constant 0 : i32
    %c0_i32_0 = arith.constant 0 : i32
    return %arg0, %c0_i32 : i32, i32
  }
  func.func @transform_4(%arg0: i32) -> (i32, i32) {
    %c0_i32 = arith.constant 0 : i32
    %c0_i32_0 = arith.constant 0 : i32
    return %arg0, %c0_i32 : i32, i32
  }
  func.func @transform_5(%arg0: i32) -> (i32, i32) {
    %c0_i32 = arith.constant 0 : i32
    %c0_i32_0 = arith.constant 0 : i32
    %c0_i32_1 = arith.constant 0 : i32
    return %c0_i32, %c0_i32_0 : i32, i32
  }
  func.func @transform_6(%arg0: i32) -> (i32, i32) {
    %c0_i32 = arith.constant 0 : i32
    %c0_i32_0 = arith.constant 0 : i32
    %c0_i32_1 = arith.constant 0 : i32
    return %c0_i32, %c0_i32_0 : i32, i32
  }
  func.func @transform_7(%arg0: i32) -> (i32, i32) {
    %c0_i32 = arith.constant 0 : i32
    %c0_i32_0 = arith.constant 0 : i32
    %c0_i32_1 = arith.constant 0 : i32
    return %c0_i32, %c0_i32_0 : i32, i32
  }
  func.func @transform_8(%arg0: i32) -> (i32, i32) {
    %c0_i32 = arith.constant 0 : i32
    %c0_i32_0 = arith.constant 0 : i32
    %c0_i32_1 = arith.constant 0 : i32
    return %c0_i32, %c0_i32_0 : i32, i32
  }
  func.func @transform_9(%arg0: i32) -> (i32, i32) {
    %c0_i32 = arith.constant 0 : i32
    %c0_i32_0 = arith.constant 0 : i32
    %c0_i32_1 = arith.constant 0 : i32
    return %c0_i32, %c0_i32_0 : i32, i32
  }
  func.func @transform_10(%arg0: i32) -> (i32, i32) {
    %c0_i32 = arith.constant 0 : i32
    %c0_i32_0 = arith.constant 0 : i32
    return %arg0, %c0_i32 : i32, i32
  }
}

</mosaic_0001>

<sc_bundles>
// kernel: kernel.6.cloned.1.call-start
scs
__scs_entry_jumppad:
0x0: {  	(pc) =	sbr.rel $0x88, $3  }
0x1: {  	(tag) =	ssettag $0x0;
	lr =	simm.s32 $0x1  }
0x2: {  	[smem:$0x3F99] =	sst lr;
	_ =	strace $0xD0000000  }
0x3: {  	_ = 	snop  }
0x4: {  	_ = 	snop  }
0x5: {  	_ = 	snop  }
0x6: {  	_ = 	snop  }
0x7: {  	_ = 	snop  }
__scs_overlays_trampoline_lowered:
0x8: {  	[smem:$0x3FA8] =	sst s0  }
0x9: {  	[smem:$0x3FA9] =	sst s1  }
0xa: {  	[smem:$0x3FAA] =	sst s2  }
0xb: {  	[smem:$0x3FAB] =	sst s3  }
0xc: {  	[smem:$0x3FAC] =	sst s4  }
0xd: {  	[smem:$0x3FAD] =	sst s5  }
0xe: {  	[smem:$0x3FAE] =	sst s6  }
0xf: {  	[smem:$0x3FAF] =	sst s7  }
0x10: {  	[smem:$0x3FB0] =	sst s8  }
0x11: {  	[smem:$0x3FB1] =	sst s9;
	s0 =	simm.s32 @!p0 $0x0  }
0x12: {  	s1 =	sld [smem:$0x3F97];
	s0 =	simm.s32 @p0 $0x1  }
0x13: {  	[smem:$0x3FB2] =	sst s0;
	s0 =	simm.s32 @!p1 $0x0  }
0x14: {  	s2 =	sld [smem:$0x3F96];
	s0 =	simm.s32 @p1 $0x1  }
0x15: {  	[smem:$0x3FB3] =	sst s0;
	s0 =	simm.s32 @!p2 $0x0  }
0x16: {  	s3 =	sld [smem:$0x3FDB];
	s0 =	simm.s32 @p2 $0x1  }
0x17: {  	s4 =	simm.s32 $0x1BF5;
	[smem:$0x3FB5] =	sst s0  }
0x18: {  	s0 =	sld [smem:$0x3F98];
	_ =	swait.ge [sflag:s4], $0x0  }
0x19: {  	s7 =	sld [smem:$0x3F99]  }
0x1a: {  	s8 =	sadd.s32 $0xFFFFE003, lr  }
0x1b: {  	s9 =	sadd.s32 $0xFFFFFEF7, lr;
	s5 =	simm.s32 $0xFFFFFFFF;
	p2 =	slt.u32 s8, $0xFFFFF086  }
0x1c: {  	p1 =	slt.u32 s9, $0xF7A;
	s5 =	simm.s32 @!p2 $0x0  }
0x1d: {  	s5 =	simm.s32 @p1 $0x1;
	p0 =	seq.s32 s7, s2  }
0x1e: {  	s7 =	smul.u32 @!p0 $0xF7A, s2;
	p2 =	seq.s32 @!p0 s5, $0x0  }
0x1f: {  	s9 =	smul.u32 $0xF7A, s1;
	s8 =	simm.s32 @!p0 $0x1BF5;
	p2 =	por !p2, p0  }
0x20: {  	[sflag:s8] =	ssyncset.s32 @!p0 $0xFFFFF086;
	s6 =	sadd.s32 @!p0 s3, s7;
	s7 =	simm.s32 @!p0 $0x108  }
0x21: {  	s3 =	sadd.s32 s3, s9;
	s6 =	sadd.s32 @!p0 $0x88, s6;
	s7 =	simm.s32 @p2 $0x1082  }
0x22: {  	[simem:s7], [sflag:s8] =	dma.local @!p0 [hbm:s6], $0xF7A  }
0x23: {  	s9 =	sor.u32 $0xD0000000, s2;
	s6 =	simm.s32 $0x108;
	_ =	swait.ge @!p0 [sflag:s8], $0x0  }
0x24: {  	s3 =	sadd.s32 $0x88, s3;
	s6 =	simm.s32 @!p1 $0x1082;
	[sflag:s4] =	ssyncset.s32 $0xFFFFF086  }
0x25: {  	[simem:s6], [sflag:s4] =	dma.local [hbm:s3], $0xF7A  }
0x26: {  	[smem:$0x3F99] =	sst s1;
	(tag) =	ssettag s2;
	_ =	strace s9  }
0x27: {  	s1 =	sld [smem:$0x3FA9]  }
0x28: {  	s2 =	sld [smem:$0x3FAA]  }
0x29: {  	s4 =	sld [smem:$0x3FAC]  }
0x2a: {  	p0 =	seq.s32 s5, $0x0;
	s5 =	sld [smem:$0x3FAD]  }
0x2b: {  	s6 =	sld [smem:$0x3FAE]  }
0x2c: {  	s7 =	sld [smem:$0x3FAF]  }
0x2d: {  	s3 =	simm.s32 $0x108;
	s8 =	sld [smem:$0x3FB0]  }
0x2e: {  	s3 =	simm.s32 @!p0 $0x1082;
	s9 =	sld [smem:$0x3FB1]  }
0x2f: {  	lr =	sadd.s32 s0, s3;
	s0 =	sld [smem:$0x3FA8]  }
0x30: {  	s3 =	sld [smem:$0x3FAB]  }
0x31: {  	[smem:$0x3FB4] =	sst s10  }
0x32: {  	s10 =	sld [smem:$0x3FB2];
	_ =	sdelay $0x3  }
0x33: {  	p0 =	seq.s32 s10, $0x1;
	s10 =	sld [smem:$0x3FB4];
	_ =	sdelay $0x3  }
0x34: {  	[smem:$0x3FB4] =	sst s10  }
0x35: {  	s10 =	sld [smem:$0x3FB3];
	_ =	sdelay $0x3  }
0x36: {  	p1 =	seq.s32 s10, $0x1;
	s10 =	sld [smem:$0x3FB4];
	_ =	sdelay $0x3  }
0x37: {  	[smem:$0x3FB4] =	sst s10  }
0x38: {  	s10 =	sld [smem:$0x3FB5]  }
0x39: {  	_ = 	snop;
	(pc) =	sbr.ind lr, $3  }
0x3a: {  	_ = 	snop  }
0x3b: {  	_ = 	snop  }
0x3c: {  	p2 =	seq.s32 s10, $0x1;
	s10 =	sld [smem:$0x3FB4]  }
0x3d: {  	_ =	shalt  }
0x3e: {  	_ =	shalt  }
0x3f: {  	_ =	shalt  }
0x40: {  	_ =	shalt  }
0x41: {  	_ =	shalt  }
0x42: {  	_ =	shalt  }
0x43: {  	_ =	shalt  }
0x44: {  	_ =	shalt  }
0x45: {  	_ =	shalt  }
0x46: {  	_ =	shalt  }
0x47: {  	_ =	shalt  }
0x48: {  	_ =	shalt  }
0x49: {  	_ =	shalt  }
0x4a: {  	_ =	shalt  }
0x4b: {  	_ =	shalt  }
0x4c: {  	_ =	shalt  }
0x4d: {  	_ =	shalt  }
0x4e: {  	_ =	shalt  }
0x4f: {  	_ =	shalt  }
0x50: {  	_ =	shalt  }
0x51: {  	_ =	shalt  }
0x52: {  	_ =	shalt  }
0x53: {  	_ =	shalt  }
0x54: {  	_ =	shalt  }
0x55: {  	_ =	shalt  }
0x56: {  	_ =	shalt  }
0x57: {  	_ =	shalt  }
0x58: {  	_ =	shalt  }
0x59: {  	_ =	shalt  }
0x5a: {  	_ =	shalt  }
0x5b: {  	_ =	shalt  }
0x5c: {  	_ =	shalt  }
0x5d: {  	_ =	shalt  }
0x5e: {  	_ =	shalt  }
0x5f: {  	_ =	shalt  }
0x60: {  	_ =	shalt  }
0x61: {  	_ =	shalt  }
0x62: {  	_ =	shalt  }
0x63: {  	_ =	shalt  }
0x64: {  	_ =	shalt  }
0x65: {  	_ =	shalt  }
0x66: {  	_ =	shalt  }
0x67: {  	_ =	shalt  }
0x68: {  	_ =	shalt  }
0x69: {  	_ =	shalt  }
0x6a: {  	_ =	shalt  }
0x6b: {  	_ =	shalt  }
0x6c: {  	_ =	shalt  }
0x6d: {  	_ =	shalt  }
0x6e: {  	_ =	shalt  }
0x6f: {  	_ =	shalt  }
0x70: {  	_ =	shalt  }
0x71: {  	_ =	shalt  }
0x72: {  	_ =	shalt  }
0x73: {  	_ =	shalt  }
0x74: {  	_ =	shalt  }
0x75: {  	_ =	shalt  }
0x76: {  	_ =	shalt  }
0x77: {  	_ =	shalt  }
0x78: {  	_ =	shalt  }
0x79: {  	_ =	shalt  }
0x7a: {  	_ =	shalt  }
0x7b: {  	_ =	shalt  }
0x7c: {  	_ =	shalt  }
0x7d: {  	_ =	shalt  }
0x7e: {  	_ =	shalt  }
0x7f: {  	_ =	shalt  }
0x80: {  	_ =	shalt  }
0x81: {  	_ =	shalt  }
0x82: {  	_ =	shalt  }
0x83: {  	_ =	shalt  }
0x84: {  	_ =	shalt  }
0x85: {  	_ =	shalt  }
0x86: {  	_ =	shalt  }
0x87: {  	_ =	shalt  }
.Lfunc_end0:
.L_simem_size_0:
called_computation_lowered:
.L_overlay_start_0:
0x88: {  	s2 =	sld [smem:$0x3FD9]  }
0x89: {  	s3 =	sld [smem:$0x3FFE];
	_ =	sdelay $0x1  }
0x8a: {  	s1 =	srdreg.scid  }
0x8b: {  	s0 =	sand.u32 $0x1, s1  }
0x8c: {  	s17 =	sshll.u32 s0, $0xA;
	s2 =	sadd.s32 s3, s2  }
0x8d: {  	s2 =	sadd.s32 s2, s17  }
0x8e: {  	[smem:$0x3FC0] =	sst s2  }
0x8f: {  	_ = 	snop  }
0x90: {  	s2 =	sld [smem:$0x3FD0];
	(tm) =	ssettm $0x1  }
0x91: {  	s18 =	sld [smem:$0x3FFB];
	_ =	sdelay $0x3  }
0x92: {  	_ =	strace s18  }
0x93: {  	s3 =	sld [smem:$0x3FFC];
	_ =	sdelay $0x3  }
0x94: {  	_ =	strace s3  }
0x95: {  	s3 =	sld [smem:$0x3FFD];
	_ =	sdelay $0x3  }
0x96: {  	_ =	strace s3  }
0x97: {  	_ =	strace $0x8FFFFFFF  }
0x98: {  	s19 =	sld [smem:$0x3FDB];
	_ =	sdelay $0x1  }
0x99: {  	s4 =	simm.s32 $_scs_section_size  }
0x9a: {  	s5 =	simm.s32 $_size__tile_overlayer_lowered;
	s6 =	simm.s32 $_tile_overlayer_lowered  }
0x9b: {  	s22 =	simm.s32 $0x1BFF;
	s21 =	sshll.u32 s6, $0x1;
	s3 =	sadd.s32 s4, s19  }
0x9c: {  	s7 =	simm.s32 $0x0;
	s20 =	sshll.u32 s5, $0x1;
	s5 =	sadd.s32 s21, s3  }
0x9d: {  	[timem:s7], [sflag:s22] =	dma.local [hbm:s5], s20  }
0x9e: {  	_ =	swait.ge [sflag:s22], s20  }
0x9f: {  	s4 =	ssub.s32 $0x0, s20;
	[sflag:s22] =	ssyncset.done $0x0  }
0xa0: {  	[sflag:s22] =	ssyncadd.s32 s4;
	_ =	sdelay $0x1  }
0xa1: {  	s23 =	simm.s32 $0x1B8B  }
0xa2: {  	_ =	swait.ge [sflag:s23], $0x1  }
0xa3: {  	[sflag:s23] =	ssyncset.done $0x0  }
0xa4: {  	s25 =	simm.s32 $0x1B8E;
	s24 =	sld [smem:$0x3FFE];
	[sflag:s23] =	ssyncadd.s32 $0xFFFFFFFF  }
0xa5: {  	s26 =	simm.s32 $execute0_lowered;
	[smem:$0x3FD2] =	sst s25  }
0xa6: {  	s5 =	sshll.u32 s26, $0x1;
	_ =	strace $0x80000046;
	[dreg:$0x1] =	wrdreg $0xFFFFFFFF  }
0xa7: {  	s28 =	simm.s32 $_size_execute0_lowered;
	s3 =	sadd.s32 s3, s5;
	[dreg:$0x0] =	wrdreg $0x0  }
0xa8: {  	s5 =	sshll.u32 s28, $0x1;
	[dreg:$0x2] =	wrdreg s3  }
0xa9: {  	[dreg:$0x3] =	wrdreg s5  }
0xaa: {  	[dreg:$0x4] =	wrdreg $0xC0  }
0xab: {  	_ =	task [dreg:s7], $0x5FFFF  }
0xac: {  	[dreg:$0x1] =	wrdreg $0xFFFFFFFF  }
0xad: {  	[dreg:$0x0] =	wrdreg $0x60  }
0xae: {  	[dreg:$0x2] =	wrdreg s24  }
0xaf: {  	[dreg:$0x3] =	wrdreg s2  }
0xb0: {  	[dreg:$0x4] =	wrdreg $0x90800  }
0xb1: {  	[dreg:$0x5] =	wrdreg $0x1D0800  }
0xb2: {  	[dreg:$0x6] =	wrdreg $0x9  }
0xb3: {  	_ =	task.clear_ibuf [dreg:s7], $0x7FFFF;
	_ =	strace $0x90000046  }
0xb4: {  	s29 =	simm.s32 $0x9;
	_ =	strace $0x80000048  }
0xb5: {  	_ =	swait.ge [sflag:s29], $0x1  }
0xb6: {  	[sflag:s29] =	ssyncadd.s32 $0xFFFFFFFF  }
0xb7: {  	_ =	strace $0x90000048  }
0xb8: {  	_ =	sfence  }
0xb9: {  	s30 =	sld [smem:$0x0];
	_ =	sdelay $0x2  }
0xba: {  	s31 =	sshll.u32 s1, $0xD;
	s1 =	sshrl.u32 s1, $0x2  }
0xbb: {  	s3 =	sand.u32 $0x4000, s31;
	s1 =	sadd.s32 s1, s30  }
0xbc: {  	s0 =	sor.u32 s3, s0;
	s1 =	sshll.u32 s1, $0x11  }
0xbd: {  	s0 =	sor.u32 s1, s0  }
0xbe: {  	s0 =	sadd.s32 $0x8F2B, s0  }
0xbf: {  	[sflag:s0] =	ssyncadd.remote.s32 $0x1  }
0xc0: {  	_ =	sfence.sel $0xFFFF  }
0xc1: {  	[dreg:$0x0] =	wrdreg $0xFFFFFFFF;
	(pc) =	sbr.abs _section_cstart, $3  }
0xc2: {  	[dreg:$0x1] =	wrdreg $0xFFFFFFFF  }
0xc3: {  	_ =	task.clear_ibuf [dreg:s7], $0x2FFFF;
	_ =	strace $0x9FFFFFFF  }
0xc4: {  	(tm) =	ssettm $0x7FFFFFFF  }
0xc5: {  	_ =	shalt  }
tec
execute0_lowered:
.L_overlay_start_1:
0x0: {  	(tag) =	ssettag $0x1  }
0x1: {  	s10 =	rddreg [dreg:$0x0]  }
0x2: {  	s2 =	rddreg [dreg:$0x1]  }
0x3: {  	s3 =	rddreg [dreg:$0x2]  }
0x4: {  	s4 =	rddreg [dreg:$0x3]  }
0x5: {  	s1 =	stileid.u32;
	s0 =	rddreg [dreg:$0x4];
	s5 =	simm.s32 $0x0  }
0x6: {  	s9 =	srdreg.scid;
	s22 =	simm.s32 $0x7D;
	s23 =	simm.s32 $0x5000  }
0x7: {  	s24 =	simm.s32 $0x1;
	s25 =	simm.s32 $0x3;
	s7 =	smul.u32 $0x500, s1  }
0x8: {  	s26 =	simm.s32 $0x0;
	[smem:$0x7FF] =	sst s5;
	s12 =	smul.u32 $0x2800, s1  }
0x9: {  	s6 =	sadd.s32 $0x3400, s10;
	s8 =	sadd.s32 $0x37C00, s10;
	s13 =	smul.u32 $0x280, s1  }
0xa: {  	s16 =	sand.u32 $0x1, s9;
	s9 =	sadd.s32 $0x37E00, s10;
	s15 =	smul.u32 $0x50000, s1  }
0xb: {  	s31 =	sshll.u32 s1, $0x6;
	_ =	strace $0x80000047;
	s14 =	ssub.s32 $0x2, s16  }
0xc: {  	p0 =	sne.s32 s16, $0x0;
	s16 =	simm.s32 $0x2;
	s11 =	sadd.s32 s7, s10  }
0xd: {  	s7 =	sadd.s32 $0x35400, s10;
	s17 =	sadd.s32 s12, s10;
	s29 =	sshrl.u32 s13, $0x3  }
0xe: {  	s18 =	sshrl.u32 s14, $0x1;
	s30 =	sshrl.u32 s15, $0x2;
	s21 =	sadd.s32 s13, s4  }
.Ltmp0:
0xf: {  	s19 =	sadd.s32 s29, s10;
	s18 =	ssub.s32 s14, s18;
	(pc) =	sbr.rel .LBB2_1-.Ltmp0, $4  }
0x10: {  	s10 =	sadd.s32 $0x2B400, s11;
	s11 =	sadd.s32 $0x30400, s11;
	s20 =	sadd.s32 s30, s3  }
0x11: {  	s12 =	sadd.s32 $0x60600, s17;
	s13 =	sadd.s32 $0x38600, s17;
	s17 =	simm.s32 $0x2800  }
0x12: {  	s21 =	sshrl.u32 s21, $0x3;
	s14 =	sadd.s32 $0x38000, s19;
	s15 =	smax.u32 s18, $0x1  }
0x13: {  	s18 =	sor.u32 $0x1C02, s31;
	s19 =	sshrl.u32 s20, $0x3;
	s20 =	simm.s32 $0x9000  }
.LBB2_7:
0x14: {  	s28 =	sshra.s32 s28, $0x2;
	[sflag:s25] =	ssyncadd.s32 $0xFFFFC180  }
0x15: {  	[tilespmem:s23], [sflag:$0x1] =	stream.indirect.gather [hbm4b:s2+s22], $0x80, s28, s22, $0xb8;
	[tilespmem:$0x1D300] =	vst v63  }
0x16: {  	_ =	swait.ge [sflag:s24], $0x3E80  }
0x17: {  	[sflag:s24] =	ssyncset.done $0x0  }
0x18: {  	s28 =	sadd.s32 $0x2800, s28;
	[sflag:s24] =	ssyncadd.s32 $0xFFFFC180  }
0x19: {  	[spmem:s3] =	stream.indirect.scatter.add.f32 [tilespmem:s23], [sflag:$0x3], $0x80, s28, s22, $0xb8;
	[tilespmem:$0x1D300] =	vst v63  }
0x1a: {  	_ =	swait.ge [sflag:s25], $0x3E80  }
0x1b: {  	[sflag:s25] =	ssyncset.done $0x0  }
0x1c: {  	[sflag:s25] =	ssyncadd.s32 $0xFFFFC180  }
0x1d: {  	[bflag:$0x0] =	sbarrier.arrive $0xFFFF  }
0x1e: {  	[hbm:s12], [sflag:s18] =	dma.local [spmem:s19], $0x2800  }
0x1f: {  	_ =	swait.ge [sflag:s16], $0x2800  }
0x20: {  	[sflag:s16] =	ssyncset.done $0x0  }
0x21: {  	[sflag:s16] =	ssyncadd.s32 $0xFFFFD800  }
.LBB2_8:
0x22: {  	s26 =	sadd.s32 $0x1, s26  }
0x23: {  	p1 =	sne.s32 s26, s15  }
.Ltmp1:
0x24: {  	_ = 	snop;
	(pc) =	sbr.rel @!p1 .LBB2_9-.Ltmp1, $1  }
0x25: {  	_ =	sdelay $0x3  }
.LBB2_1:
0x26: {  	[tilespmem:s5], [sflag:$0x2] =	stream.linear.gather [hbm4b:s10+s5], $0x2800, $0x38;
	[tilespmem:$0x1D300] =	vst v63  }
0x27: {  	_ =	swait.ge [sflag:s16], $0x2800  }
0x28: {  	[sflag:s16] =	ssyncset.done $0x0  }
0x29: {  	[sflag:s16] =	ssyncadd.s32 $0xFFFFD800  }
0x2a: {  	[tilespmem:s17], [sflag:$0x2] =	stream.linear.gather [hbm4b:s11+s5], $0x2800, $0x38;
	[tilespmem:$0x1D300] =	vst v63  }
0x2b: {  	_ =	swait.ge [sflag:s16], $0x2800  }
0x2c: {  	[sflag:s16] =	ssyncset.done $0x0  }
.Ltmp2:
0x2d: {  	[sflag:s16] =	ssyncadd.s32 $0xFFFFD800;
	(pc) =	sbr.rel @p0 .LBB2_5-.Ltmp2, $4  }
0x2e: {  	[spmem:s19], [sflag:s18] =	dma.local [hbm:s7], $0x2800  }
0x2f: {  	_ =	swait.ge [sflag:s16], $0x2800  }
0x30: {  	[sflag:s16] =	ssyncset.done $0x0  }
0x31: {  	[sflag:s16] =	ssyncadd.s32 $0xFFFFD800  }
0x32: {  	s28 =	simm.s32 $0x0  }
0x33: {  	[tilespmem:s20], [sflag:$0x2] =	stream.linear.gather [hbm4b:s9+s28], $0x80, $0x38;
	[tilespmem:$0x1D300] =	vst v63  }
0x34: {  	_ =	swait.ge [sflag:s16], $0x80  }
0x35: {  	[sflag:s16] =	ssyncset.done $0x0  }
0x36: {  	[sflag:s16] =	ssyncadd.s32 $0xFFFFFF80  }
0x37: {  	[spmem:s21], [sflag:s18] =	dma.local [hbm:s8], $0x50  }
0x38: {  	_ =	swait.ge [sflag:s16], $0x50  }
0x39: {  	[sflag:s16] =	ssyncset.done $0x0  }
0x3a: {  	[sflag:s16] =	ssyncadd.s32 $0xFFFFFFB0  }
0x3b: {  	s28 =	simm.s32 $0x0;
	[bflag:$0x0] =	sbarrier.arrive $0xFFFF  }
0x3c: {  	[tilespmem:s23], [sflag:$0x1] =	stream.indirect.gather [hbm4b:s6+s22], $0x80, s28, s22, $0xb8;
	[tilespmem:$0x1D300] =	vst v63  }
0x3d: {  	_ =	swait.ge [sflag:s24], $0x3E80  }
0x3e: {  	[sflag:s24] =	ssyncset.done $0x0  }
0x3f: {  	s28 =	simm.s32 $0x2800;
	[sflag:s24] =	ssyncadd.s32 $0xFFFFC180  }
0x40: {  	[spmem:s3] =	stream.indirect.scatter.add.f32 [tilespmem:s23], [sflag:$0x2], $0x80, s28, s22, $0xb8;
	[tilespmem:$0x1D300] =	vst v63  }
0x41: {  	_ =	swait.ge [sflag:s16], $0x3E80  }
0x42: {  	[sflag:s16] =	ssyncset.done $0x0  }
0x43: {  	[sflag:s16] =	ssyncadd.s32 $0xFFFFC180  }
0x44: {  	[spmem:s4] =	stream.indirect.scatter.add.f32 [tilespmem:s20], [sflag:$0x2], $0x1, s28, s22, $0xb8;
	[tilespmem:$0x1D300] =	vst v63  }
0x45: {  	_ =	swait.ge [sflag:s16], $0x7D  }
0x46: {  	s29 =	simm.s32 $0x400;
	s28 =	simm.s32 $0x200;
	[sflag:s16] =	ssyncset.done $0x0  }
.LBB2_3:
0x47: {  	s30 =	sshra.s32 s28, $0x2  }
0x48: {  	[sflag:s16] =	ssyncadd.s32 $0xFFFFFF83;
	s28 =	smov.u32 s29;
	s31 =	sadd.s32 $0x200, s29  }
0x49: {  	[tilespmem:s23], [sflag:$0x1] =	stream.indirect.gather [hbm4b:s6+s22], $0x80, s30, s22, $0xb8;
	[tilespmem:$0x1D300] =	vst v63  }
0x4a: {  	p1 =	seq.s32 s29, $0x9E00;
	_ =	swait.ge [sflag:s24], $0x3E80  }
0x4b: {  	[sflag:s24] =	ssyncset.done $0x0  }
0x4c: {  	s29 =	sadd.s32 $0x2800, s30;
	[sflag:s24] =	ssyncadd.s32 $0xFFFFC180  }
0x4d: {  	[spmem:s3] =	stream.indirect.scatter.add.f32 [tilespmem:s23], [sflag:$0x2], $0x80, s29, s22, $0xb8;
	[tilespmem:$0x1D300] =	vst v63  }
0x4e: {  	_ =	swait.ge [sflag:s16], $0x3E80  }
.Ltmp3:
0x4f: {  	[sflag:s16] =	ssyncset.done $0x0;
	(pc) =	sbr.rel @!p1 .LBB2_3-.Ltmp3, $4  }
0x50: {  	[sflag:s16] =	ssyncadd.s32 $0xFFFFC180  }
0x51: {  	[spmem:s4] =	stream.indirect.scatter.add.f32 [tilespmem:s20], [sflag:$0x2], $0x1, s29, s22, $0xb8;
	[tilespmem:$0x1D300] =	vst v63  }
0x52: {  	_ =	swait.ge [sflag:s16], $0x7D  }
0x53: {  	s29 =	smov.u32 s31;
	[sflag:s16] =	ssyncset.done $0x0  }
0x54: {  	s28 =	sshra.s32 s28, $0x2;
	[sflag:s16] =	ssyncadd.s32 $0xFFFFFF83  }
0x55: {  	[tilespmem:s23], [sflag:$0x1] =	stream.indirect.gather [hbm4b:s6+s22], $0x80, s28, s22, $0xb8;
	[tilespmem:$0x1D300] =	vst v63  }
0x56: {  	_ =	swait.ge [sflag:s24], $0x3E80  }
0x57: {  	[sflag:s24] =	ssyncset.done $0x0  }
0x58: {  	s28 =	sadd.s32 $0x2800, s28;
	[sflag:s24] =	ssyncadd.s32 $0xFFFFC180  }
0x59: {  	[spmem:s3] =	stream.indirect.scatter.add.f32 [tilespmem:s23], [sflag:$0x2], $0x80, s28, s22, $0xb8;
	[tilespmem:$0x1D300] =	vst v63  }
0x5a: {  	_ =	swait.ge [sflag:s16], $0x3E80  }
0x5b: {  	[sflag:s16] =	ssyncset.done $0x0  }
0x5c: {  	[sflag:s16] =	ssyncadd.s32 $0xFFFFC180  }
0x5d: {  	[spmem:s4] =	stream.indirect.scatter.add.f32 [tilespmem:s20], [sflag:$0x2], $0x1, s28, s22, $0xb8;
	[tilespmem:$0x1D300] =	vst v63  }
0x5e: {  	_ =	swait.ge [sflag:s16], $0x7D  }
0x5f: {  	[sflag:s16] =	ssyncset.done $0x0  }
0x60: {  	[sflag:s16] =	ssyncadd.s32 $0xFFFFFF83  }
0x61: {  	[bflag:$0x0] =	sbarrier.arrive $0xFFFF  }
0x62: {  	[hbm:s13], [sflag:s18] =	dma.local [spmem:s19], $0x2800  }
0x63: {  	_ =	swait.ge [sflag:s16], $0x2800  }
0x64: {  	[sflag:s16] =	ssyncset.done $0x0  }
.Ltmp4:
0x65: {  	[sflag:s16] =	ssyncadd.s32 $0xFFFFD800;
	(pc) =	sbr.rel .LBB2_8-.Ltmp4, $4  }
0x66: {  	[hbm:s14], [sflag:s18] =	dma.local [spmem:s21], $0x50  }
0x67: {  	_ =	swait.ge [sflag:s16], $0x50  }
0x68: {  	[sflag:s16] =	ssyncset.done $0x0  }
0x69: {  	[sflag:s16] =	ssyncadd.s32 $0xFFFFFFB0  }
.LBB2_5:
0x6a: {  	[bflag:$0x0] =	sbarrier.arrive $0xFFFF;
	s28 =	simm.s32 $0x0  }
0x6b: {  	[tilespmem:s23], [sflag:$0x1] =	stream.indirect.gather [hbm4b:s2+s22], $0x80, s28, s22, $0xb8;
	[tilespmem:$0x1D300] =	vst v63  }
0x6c: {  	_ =	swait.ge [sflag:s24], $0x3E80  }
0x6d: {  	[sflag:s24] =	ssyncset.done $0x0  }
0x6e: {  	s28 =	simm.s32 $0x2800;
	[sflag:s24] =	ssyncadd.s32 $0xFFFFC180  }
0x6f: {  	[spmem:s3] =	stream.indirect.scatter.add.f32 [tilespmem:s23], [sflag:$0x3], $0x80, s28, s22, $0xb8;
	[tilespmem:$0x1D300] =	vst v63  }
0x70: {  	_ =	swait.ge [sflag:s25], $0x3E80  }
0x71: {  	s29 =	simm.s32 $0x400;
	s28 =	simm.s32 $0x200;
	[sflag:s25] =	ssyncset.done $0x0  }
.LBB2_6:
0x72: {  	s30 =	sshra.s32 s28, $0x2  }
0x73: {  	[sflag:s25] =	ssyncadd.s32 $0xFFFFC180;
	s28 =	smov.u32 s29;
	s31 =	sadd.s32 $0x200, s29  }
0x74: {  	[tilespmem:s23], [sflag:$0x1] =	stream.indirect.gather [hbm4b:s2+s22], $0x80, s30, s22, $0xb8;
	[tilespmem:$0x1D300] =	vst v63  }
0x75: {  	p1 =	sne.s32 s29, $0x9E00;
	_ =	swait.ge [sflag:s24], $0x3E80  }
.Ltmp5:
0x76: {  	[sflag:s24] =	ssyncset.done $0x0;
	(pc) =	sbr.rel @p1 .LBB2_6-.Ltmp5, $4  }
0x77: {  	s29 =	sadd.s32 $0x2800, s30;
	[sflag:s24] =	ssyncadd.s32 $0xFFFFC180  }
0x78: {  	[spmem:s3] =	stream.indirect.scatter.add.f32 [tilespmem:s23], [sflag:$0x3], $0x80, s29, s22, $0xb8;
	[tilespmem:$0x1D300] =	vst v63  }
0x79: {  	_ =	swait.ge [sflag:s25], $0x3E80  }
0x7a: {  	s29 =	smov.u32 s31;
	[sflag:s25] =	ssyncset.done $0x0  }
.Ltmp6:
0x7b: {  	_ = 	snop;
	(pc) =	sbr.rel .LBB2_7-.Ltmp6, $1  }
0x7c: {  	_ =	sdelay $0x3  }
.LBB2_9:
0x7d: {  	_ =	sfence.sel $0x180000  }
0x7e: {  	[bflag:$0x0] =	sbarrier.arrive $0xFFFF  }
0x7f: {  	p0 =	sne.s32 s1, $0x0;
	_ =	strace $0x90000047  }
0x80: {  	s0 =	sadd.s32 @!p0 $0x100000, s0;
	[bflag:$0x2] =	sbarrier.arrive $0xFFFF  }
0x81: {  	[sflag:s0] =	ssyncadd.tile.s32 @!p0 $0x1;
	_ =	shalt  }
.Lfunc_end2:
_tile_overlayer_lowered:
.L_overlay_start_2:
0x82: {  	(tag) =	ssettag $0x2  }
0x83: {  	s0 =	rddreg [dreg:$0x0];
	s2 =	stileid.u32  }
0x84: {  	s1 =	rddreg [dreg:$0x1];
	p0 =	sne.s32 s2, $0x0  }
0x85: {  	s3 =	rddreg [dreg:$0x2];
	[bflag:$0x3] =	sbarrier.arrive $0xFFFF;
	s2 =	simm.s32 @!p0 $0x1C02  }
0x86: {  	[timem:s3], [sflag:s2] =	dma.local @!p0 [hbm:s0], s1  }
0x87: {  	s0 =	simm.s32 @!p0 $0x2  }
0x88: {  	_ =	swait.ge @!p0 [sflag:s0], s1  }
0x89: {  	s1 =	ssub.s32 @!p0 $0x0, s1;
	[sflag:s0] =	ssyncset.done @!p0 $0x0  }
0x8a: {  	[sflag:s0] =	ssyncadd.s32 @!p0 s1  }
0x8b: {  	[bflag:$0x3] =	sbarrier.arrive $0xFFFF  }
0x8c: {  	_ =	shalt  }

// kernel: kernel.9.cloned.1.call-start
scs
__scs_entry_jumppad:
0x0: {  	(pc) =	sbr.rel $0x88, $3  }
0x1: {  	(tag) =	ssettag $0x0;
	lr =	simm.s32 $0x1  }
0x2: {  	[smem:$0x3F99] =	sst lr;
	_ =	strace $0xD0000000  }
0x3: {  	_ = 	snop  }
0x4: {  	_ = 	snop  }
0x5: {  	_ = 	snop  }
0x6: {  	_ = 	snop  }
0x7: {  	_ = 	snop  }
__scs_overlays_trampoline_lowered:
0x8: {  	[smem:$0x3FA8] =	sst s0  }
0x9: {  	[smem:$0x3FA9] =	sst s1  }
0xa: {  	[smem:$0x3FAA] =	sst s2  }
0xb: {  	[smem:$0x3FAB] =	sst s3  }
0xc: {  	[smem:$0x3FAC] =	sst s4  }
0xd: {  	[smem:$0x3FAD] =	sst s5  }
0xe: {  	[smem:$0x3FAE] =	sst s6  }
0xf: {  	[smem:$0x3FAF] =	sst s7  }
0x10: {  	[smem:$0x3FB0] =	sst s8  }
0x11: {  	[smem:$0x3FB1] =	sst s9;
	s0 =	simm.s32 @!p0 $0x0  }
0x12: {  	s1 =	sld [smem:$0x3F97];
	s0 =	simm.s32 @p0 $0x1  }
0x13: {  	[smem:$0x3FB2] =	sst s0;
	s0 =	simm.s32 @!p1 $0x0  }
0x14: {  	s2 =	sld [smem:$0x3F96];
	s0 =	simm.s32 @p1 $0x1  }
0x15: {  	[smem:$0x3FB3] =	sst s0;
	s0 =	simm.s32 @!p2 $0x0  }
0x16: {  	s3 =	sld [smem:$0x3FDB];
	s0 =	simm.s32 @p2 $0x1  }
0x17: {  	s4 =	simm.s32 $0x1BF5;
	[smem:$0x3FB5] =	sst s0  }
0x18: {  	s0 =	sld [smem:$0x3F98];
	_ =	swait.ge [sflag:s4], $0x0  }
0x19: {  	s7 =	sld [smem:$0x3F99]  }
0x1a: {  	s8 =	sadd.s32 $0xFFFFE003, lr  }
0x1b: {  	s9 =	sadd.s32 $0xFFFFFEF7, lr;
	s5 =	simm.s32 $0xFFFFFFFF;
	p2 =	slt.u32 s8, $0xFFFFF086  }
0x1c: {  	p1 =	slt.u32 s9, $0xF7A;
	s5 =	simm.s32 @!p2 $0x0  }
0x1d: {  	s5 =	simm.s32 @p1 $0x1;
	p0 =	seq.s32 s7, s2  }
0x1e: {  	s7 =	smul.u32 @!p0 $0xF7A, s2;
	p2 =	seq.s32 @!p0 s5, $0x0  }
0x1f: {  	s9 =	smul.u32 $0xF7A, s1;
	s8 =	simm.s32 @!p0 $0x1BF5;
	p2 =	por !p2, p0  }
0x20: {  	[sflag:s8] =	ssyncset.s32 @!p0 $0xFFFFF086;
	s6 =	sadd.s32 @!p0 s3, s7;
	s7 =	simm.s32 @!p0 $0x108  }
0x21: {  	s3 =	sadd.s32 s3, s9;
	s6 =	sadd.s32 @!p0 $0x88, s6;
	s7 =	simm.s32 @p2 $0x1082  }
0x22: {  	[simem:s7], [sflag:s8] =	dma.local @!p0 [hbm:s6], $0xF7A  }
0x23: {  	s9 =	sor.u32 $0xD0000000, s2;
	s6 =	simm.s32 $0x108;
	_ =	swait.ge @!p0 [sflag:s8], $0x0  }
0x24: {  	s3 =	sadd.s32 $0x88, s3;
	s6 =	simm.s32 @!p1 $0x1082;
	[sflag:s4] =	ssyncset.s32 $0xFFFFF086  }
0x25: {  	[simem:s6], [sflag:s4] =	dma.local [hbm:s3], $0xF7A  }
0x26: {  	[smem:$0x3F99] =	sst s1;
	(tag) =	ssettag s2;
	_ =	strace s9  }
0x27: {  	s1 =	sld [smem:$0x3FA9]  }
0x28: {  	s2 =	sld [smem:$0x3FAA]  }
0x29: {  	s4 =	sld [smem:$0x3FAC]  }
0x2a: {  	p0 =	seq.s32 s5, $0x0;
	s5 =	sld [smem:$0x3FAD]  }
0x2b: {  	s6 =	sld [smem:$0x3FAE]  }
0x2c: {  	s7 =	sld [smem:$0x3FAF]  }
0x2d: {  	s3 =	simm.s32 $0x108;
	s8 =	sld [smem:$0x3FB0]  }
0x2e: {  	s3 =	simm.s32 @!p0 $0x1082;
	s9 =	sld [smem:$0x3FB1]  }
0x2f: {  	lr =	sadd.s32 s0, s3;
	s0 =	sld [smem:$0x3FA8]  }
0x30: {  	s3 =	sld [smem:$0x3FAB]  }
0x31: {  	[smem:$0x3FB4] =	sst s10  }
0x32: {  	s10 =	sld [smem:$0x3FB2];
	_ =	sdelay $0x3  }
0x33: {  	p0 =	seq.s32 s10, $0x1;
	s10 =	sld [smem:$0x3FB4];
	_ =	sdelay $0x3  }
0x34: {  	[smem:$0x3FB4] =	sst s10  }
0x35: {  	s10 =	sld [smem:$0x3FB3];
	_ =	sdelay $0x3  }
0x36: {  	p1 =	seq.s32 s10, $0x1;
	s10 =	sld [smem:$0x3FB4];
	_ =	sdelay $0x3  }
0x37: {  	[smem:$0x3FB4] =	sst s10  }
0x38: {  	s10 =	sld [smem:$0x3FB5]  }
0x39: {  	_ = 	snop;
	(pc) =	sbr.ind lr, $3  }
0x3a: {  	_ = 	snop  }
0x3b: {  	_ = 	snop  }
0x3c: {  	p2 =	seq.s32 s10, $0x1;
	s10 =	sld [smem:$0x3FB4]  }
0x3d: {  	_ =	shalt  }
0x3e: {  	_ =	shalt  }
0x3f: {  	_ =	shalt  }
0x40: {  	_ =	shalt  }
0x41: {  	_ =	shalt  }
0x42: {  	_ =	shalt  }
0x43: {  	_ =	shalt  }
0x44: {  	_ =	shalt  }
0x45: {  	_ =	shalt  }
0x46: {  	_ =	shalt  }
0x47: {  	_ =	shalt  }
0x48: {  	_ =	shalt  }
0x49: {  	_ =	shalt  }
0x4a: {  	_ =	shalt  }
0x4b: {  	_ =	shalt  }
0x4c: {  	_ =	shalt  }
0x4d: {  	_ =	shalt  }
0x4e: {  	_ =	shalt  }
0x4f: {  	_ =	shalt  }
0x50: {  	_ =	shalt  }
0x51: {  	_ =	shalt  }
0x52: {  	_ =	shalt  }
0x53: {  	_ =	shalt  }
0x54: {  	_ =	shalt  }
0x55: {  	_ =	shalt  }
0x56: {  	_ =	shalt  }
0x57: {  	_ =	shalt  }
0x58: {  	_ =	shalt  }
0x59: {  	_ =	shalt  }
0x5a: {  	_ =	shalt  }
0x5b: {  	_ =	shalt  }
0x5c: {  	_ =	shalt  }
0x5d: {  	_ =	shalt  }
0x5e: {  	_ =	shalt  }
0x5f: {  	_ =	shalt  }
0x60: {  	_ =	shalt  }
0x61: {  	_ =	shalt  }
0x62: {  	_ =	shalt  }
0x63: {  	_ =	shalt  }
0x64: {  	_ =	shalt  }
0x65: {  	_ =	shalt  }
0x66: {  	_ =	shalt  }
0x67: {  	_ =	shalt  }
0x68: {  	_ =	shalt  }
0x69: {  	_ =	shalt  }
0x6a: {  	_ =	shalt  }
0x6b: {  	_ =	shalt  }
0x6c: {  	_ =	shalt  }
0x6d: {  	_ =	shalt  }
0x6e: {  	_ =	shalt  }
0x6f: {  	_ =	shalt  }
0x70: {  	_ =	shalt  }
0x71: {  	_ =	shalt  }
0x72: {  	_ =	shalt  }
0x73: {  	_ =	shalt  }
0x74: {  	_ =	shalt  }
0x75: {  	_ =	shalt  }
0x76: {  	_ =	shalt  }
0x77: {  	_ =	shalt  }
0x78: {  	_ =	shalt  }
0x79: {  	_ =	shalt  }
0x7a: {  	_ =	shalt  }
0x7b: {  	_ =	shalt  }
0x7c: {  	_ =	shalt  }
0x7d: {  	_ =	shalt  }
0x7e: {  	_ =	shalt  }
0x7f: {  	_ =	shalt  }
0x80: {  	_ =	shalt  }
0x81: {  	_ =	shalt  }
0x82: {  	_ =	shalt  }
0x83: {  	_ =	shalt  }
0x84: {  	_ =	shalt  }
0x85: {  	_ =	shalt  }
0x86: {  	_ =	shalt  }
0x87: {  	_ =	shalt  }
.Lfunc_end0:
.L_simem_size_0:
called_computation.1_lowered:
.L_overlay_start_0:
0x88: {  	s2 =	sld [smem:$0x3FD9]  }
0x89: {  	s3 =	sld [smem:$0x3FFE];
	_ =	sdelay $0x1  }
0x8a: {  	s1 =	srdreg.scid  }
0x8b: {  	s0 =	sand.u32 $0x1, s1  }
0x8c: {  	s17 =	sshll.u32 s0, $0xA;
	s2 =	sadd.s32 s3, s2  }
0x8d: {  	s2 =	sadd.s32 s2, s17  }
0x8e: {  	[smem:$0x3FC0] =	sst s2  }
0x8f: {  	_ = 	snop  }
0x90: {  	s2 =	sld [smem:$0x3FD0];
	(tm) =	ssettm $0x1  }
0x91: {  	s18 =	sld [smem:$0x3FFB];
	_ =	sdelay $0x3  }
0x92: {  	_ =	strace s18  }
0x93: {  	s3 =	sld [smem:$0x3FFC];
	_ =	sdelay $0x3  }
0x94: {  	_ =	strace s3  }
0x95: {  	s3 =	sld [smem:$0x3FFD];
	_ =	sdelay $0x3  }
0x96: {  	_ =	strace s3  }
0x97: {  	_ =	strace $0x8FFFFFFF  }
0x98: {  	s19 =	sld [smem:$0x3FDB];
	_ =	sdelay $0x1  }
0x99: {  	s4 =	simm.s32 $_scs_section_size  }
0x9a: {  	s5 =	simm.s32 $_size__tile_overlayer_lowered;
	s6 =	simm.s32 $_tile_overlayer_lowered  }
0x9b: {  	s22 =	simm.s32 $0x1BFF;
	s21 =	sshll.u32 s6, $0x1;
	s3 =	sadd.s32 s4, s19  }
0x9c: {  	s7 =	simm.s32 $0x0;
	s20 =	sshll.u32 s5, $0x1;
	s5 =	sadd.s32 s21, s3  }
0x9d: {  	[timem:s7], [sflag:s22] =	dma.local [hbm:s5], s20  }
0x9e: {  	_ =	swait.ge [sflag:s22], s20  }
0x9f: {  	s4 =	ssub.s32 $0x0, s20;
	[sflag:s22] =	ssyncset.done $0x0  }
0xa0: {  	[sflag:s22] =	ssyncadd.s32 s4;
	_ =	sdelay $0x1  }
0xa1: {  	s23 =	simm.s32 $0x1B8B  }
0xa2: {  	_ =	swait.ge [sflag:s23], $0x1  }
0xa3: {  	[sflag:s23] =	ssyncset.done $0x0  }
0xa4: {  	s25 =	simm.s32 $0x1B8E;
	s24 =	sld [smem:$0x3FFE];
	[sflag:s23] =	ssyncadd.s32 $0xFFFFFFFF  }
0xa5: {  	s26 =	simm.s32 $execute0_lowered;
	[smem:$0x3FD2] =	sst s25  }
0xa6: {  	s5 =	sshll.u32 s26, $0x1;
	_ =	strace $0x80000049;
	[dreg:$0x1] =	wrdreg $0xFFFFFFFF  }
0xa7: {  	s28 =	simm.s32 $_size_execute0_lowered;
	s3 =	sadd.s32 s3, s5;
	[dreg:$0x0] =	wrdreg $0x0  }
0xa8: {  	s5 =	sshll.u32 s28, $0x1;
	[dreg:$0x2] =	wrdreg s3  }
0xa9: {  	[dreg:$0x3] =	wrdreg s5  }
0xaa: {  	[dreg:$0x4] =	wrdreg $0xC0  }
0xab: {  	_ =	task [dreg:s7], $0x5FFFF  }
0xac: {  	[dreg:$0x1] =	wrdreg $0xFFFFFFFF  }
0xad: {  	[dreg:$0x0] =	wrdreg $0x60  }
0xae: {  	[dreg:$0x2] =	wrdreg s2  }
0xaf: {  	[dreg:$0x3] =	wrdreg s24  }
0xb0: {  	[dreg:$0x4] =	wrdreg $0x90000  }
0xb1: {  	[dreg:$0x5] =	wrdreg $0x9  }
0xb2: {  	_ =	task.clear_ibuf [dreg:s7], $0x6FFFF;
	_ =	strace $0x90000049  }
0xb3: {  	s29 =	simm.s32 $0x9;
	_ =	strace $0x8000004B  }
0xb4: {  	_ =	swait.ge [sflag:s29], $0x1  }
0xb5: {  	[sflag:s29] =	ssyncadd.s32 $0xFFFFFFFF  }
0xb6: {  	_ =	strace $0x9000004B  }
0xb7: {  	_ =	sfence  }
0xb8: {  	s30 =	sld [smem:$0x0];
	_ =	sdelay $0x2  }
0xb9: {  	s31 =	sshll.u32 s1, $0xD;
	s1 =	sshrl.u32 s1, $0x2  }
0xba: {  	s3 =	sand.u32 $0x4000, s31;
	s1 =	sadd.s32 s1, s30  }
0xbb: {  	s0 =	sor.u32 s3, s0;
	s1 =	sshll.u32 s1, $0x11  }
0xbc: {  	s0 =	sor.u32 s1, s0  }
0xbd: {  	s0 =	sadd.s32 $0x8F2B, s0  }
0xbe: {  	[sflag:s0] =	ssyncadd.remote.s32 $0x1  }
0xbf: {  	_ =	sfence.sel $0xFFFF  }
0xc0: {  	[dreg:$0x0] =	wrdreg $0xFFFFFFFF;
	(pc) =	sbr.abs _section_cstart, $3  }
0xc1: {  	[dreg:$0x1] =	wrdreg $0xFFFFFFFF  }
0xc2: {  	_ =	task.clear_ibuf [dreg:s7], $0x2FFFF;
	_ =	strace $0x9FFFFFFF  }
0xc3: {  	(tm) =	ssettm $0x7FFFFFFF  }
tec
execute0_lowered:
.L_overlay_start_1:
0x0: {  	(tag) =	ssettag $0x1  }
0x1: {  	s1 =	rddreg [dreg:$0x0]  }
0x2: {  	s8 =	rddreg [dreg:$0x1]  }
0x3: {  	s3 =	rddreg [dreg:$0x2]  }
0x4: {  	s0 =	rddreg [dreg:$0x3]  }
0x5: {  	s4 =	simm.s32 $0x0;
	s2 =	stileid.u32;
	s7 =	srdreg.scid  }
0x6: {  	s14 =	simm.s32 $0x2800;
	s17 =	simm.s32 $0x7D;
	s18 =	simm.s32 $0x5000  }
0x7: {  	s19 =	simm.s32 $0x1;
	s20 =	simm.s32 $0x0;
	[smem:$0x7FF] =	sst s4  }
0x8: {  	s6 =	smul.u32 $0x500, s2;
	s5 =	sadd.s32 $0x3400, s8;
	s13 =	sand.u32 $0x1, s7  }
0x9: {  	s11 =	smul.u32 $0x50000, s2;
	s7 =	sadd.s32 $0x38600, s8;
	s15 =	sshll.u32 s2, $0x6  }
0xa: {  	_ =	strace $0x8000004A;
	s9 =	ssub.s32 $0x2, s13;
	p0 =	sne.s32 s13, $0x0  }
.Ltmp0:
0xb: {  	s13 =	simm.s32 $0x2;
	s15 =	sor.u32 $0x1C02, s15;
	(pc) =	sbr.rel .LBB2_1-.Ltmp0, $4  }
0xc: {  	s10 =	sadd.s32 s6, s8;
	s6 =	sadd.s32 $0x35400, s8;
	s12 =	sshrl.u32 s9, $0x1  }
0xd: {  	s8 =	sadd.s32 $0x60600, s8;
	s11 =	sshrl.u32 s11, $0x2;
	s12 =	ssub.s32 s9, s12  }
0xe: {  	s9 =	sadd.s32 $0x2B400, s10;
	s10 =	sadd.s32 $0x30400, s10;
	s16 =	sadd.s32 s11, s3  }
0xf: {  	s11 =	smul.u32 $0x2800, s2;
	s12 =	smax.u32 s12, $0x1;
	s16 =	sshrl.u32 s16, $0x3  }
.LBB2_7:
0x10: {  	s21 =	sshra.s32 s21, $0x2;
	[sflag:s13] =	ssyncadd.s32 $0xFFFFC180  }
0x11: {  	[tilespmem:s18], [sflag:$0x1] =	stream.indirect.gather [hbm4b:s5+s17], $0x80, s21, s17, $0xb8;
	[tilespmem:$0x1D000] =	vst v63  }
0x12: {  	_ =	swait.ge [sflag:s19], $0x3E80  }
0x13: {  	[sflag:s19] =	ssyncset.done $0x0  }
0x14: {  	s21 =	sadd.s32 $0x2800, s21;
	[sflag:s19] =	ssyncadd.s32 $0xFFFFC180  }
0x15: {  	[spmem:s3] =	stream.indirect.scatter.add.f32 [tilespmem:s18], [sflag:$0x2], $0x80, s21, s17, $0xb8;
	[tilespmem:$0x1D000] =	vst v63  }
0x16: {  	_ =	swait.ge [sflag:s13], $0x3E80  }
0x17: {  	[sflag:s13] =	ssyncset.done $0x0  }
0x18: {  	s21 =	smov.u32 s8;
	[sflag:s13] =	ssyncadd.s32 $0xFFFFC180  }
.LBB2_8:
0x19: {  	s20 =	sadd.s32 $0x1, s20  }
0x1a: {  	p1 =	sne.s32 s20, s12  }
.Ltmp1:
0x1b: {  	s21 =	sadd.s32 s21, s11;
	[bflag:$0x0] =	sbarrier.arrive $0xFFFF;
	(pc) =	sbr.rel @!p1 .LBB2_9-.Ltmp1, $4  }
0x1c: {  	[hbm:s21], [sflag:s15] =	dma.local [spmem:s16], $0x2800  }
0x1d: {  	_ =	swait.ge [sflag:s13], $0x2800  }
0x1e: {  	[sflag:s13] =	ssyncset.done $0x0  }
0x1f: {  	[sflag:s13] =	ssyncadd.s32 $0xFFFFD800  }
.LBB2_1:
0x20: {  	[tilespmem:s4], [sflag:$0x2] =	stream.linear.gather [hbm4b:s9+s4], $0x2800, $0x38;
	[tilespmem:$0x1D000] =	vst v63  }
0x21: {  	_ =	swait.ge [sflag:s13], $0x2800  }
0x22: {  	[sflag:s13] =	ssyncset.done $0x0  }
0x23: {  	[sflag:s13] =	ssyncadd.s32 $0xFFFFD800  }
0x24: {  	[tilespmem:s14], [sflag:$0x2] =	stream.linear.gather [hbm4b:s10+s4], $0x2800, $0x38;
	[tilespmem:$0x1D000] =	vst v63  }
0x25: {  	_ =	swait.ge [sflag:s13], $0x2800  }
0x26: {  	[sflag:s13] =	ssyncset.done $0x0  }
0x27: {  	[sflag:s13] =	ssyncadd.s32 $0xFFFFD800  }
0x28: {  	[spmem:s16], [sflag:s15] =	dma.local [hbm:s6], $0x2800  }
.Ltmp2:
0x29: {  	_ =	swait.ge [sflag:s13], $0x2800;
	(pc) =	sbr.rel @p0 .LBB2_5-.Ltmp2, $4  }
0x2a: {  	[sflag:s13] =	ssyncset.done $0x0  }
0x2b: {  	[sflag:s13] =	ssyncadd.s32 $0xFFFFD800  }
0x2c: {  	[bflag:$0x0] =	sbarrier.arrive $0xFFFF  }
0x2d: {  	s21 =	simm.s32 $0x0  }
0x2e: {  	[tilespmem:s18], [sflag:$0x1] =	stream.indirect.gather [hbm4b:s1+s17], $0x80, s21, s17, $0xb8;
	[tilespmem:$0x1D000] =	vst v63  }
0x2f: {  	_ =	swait.ge [sflag:s19], $0x3E80  }
0x30: {  	[sflag:s19] =	ssyncset.done $0x0  }
0x31: {  	s31 =	simm.s32 $0x2800;
	[sflag:s19] =	ssyncadd.s32 $0xFFFFC180  }
0x32: {  	[spmem:s3] =	stream.indirect.scatter.add.f32 [tilespmem:s18], [sflag:$0x2], $0x80, s31, s17, $0xb8;
	[tilespmem:$0x1D000] =	vst v63  }
0x33: {  	_ =	swait.ge [sflag:s13], $0x3E80  }
0x34: {  	s21 =	simm.s32 $0x200;
	s22 =	simm.s32 $0x400;
	[sflag:s13] =	ssyncset.done $0x0  }
.LBB2_3:
0x35: {  	s23 =	sshra.s32 s21, $0x2  }
0x36: {  	[sflag:s13] =	ssyncadd.s32 $0xFFFFC180;
	s21 =	smov.u32 s22;
	s24 =	sadd.s32 $0x200, s22  }
0x37: {  	[tilespmem:s18], [sflag:$0x1] =	stream.indirect.gather [hbm4b:s1+s17], $0x80, s23, s17, $0xb8;
	[tilespmem:$0x1D000] =	vst v63  }
0x38: {  	p1 =	seq.s32 s22, $0x9E00;
	_ =	swait.ge [sflag:s19], $0x3E80  }
.Ltmp3:
0x39: {  	[sflag:s19] =	ssyncset.done $0x0;
	(pc) =	sbr.rel @!p1 .LBB2_3-.Ltmp3, $4  }
0x3a: {  	s22 =	sadd.s32 $0x2800, s23;
	[sflag:s19] =	ssyncadd.s32 $0xFFFFC180  }
0x3b: {  	[spmem:s3] =	stream.indirect.scatter.add.f32 [tilespmem:s18], [sflag:$0x2], $0x80, s22, s17, $0xb8;
	[tilespmem:$0x1D000] =	vst v63  }
0x3c: {  	_ =	swait.ge [sflag:s13], $0x3E80  }
0x3d: {  	s22 =	smov.u32 s24;
	[sflag:s13] =	ssyncset.done $0x0  }
0x3e: {  	s21 =	sshra.s32 s21, $0x2;
	[sflag:s13] =	ssyncadd.s32 $0xFFFFC180  }
0x3f: {  	[tilespmem:s18], [sflag:$0x1] =	stream.indirect.gather [hbm4b:s1+s17], $0x80, s21, s17, $0xb8;
	[tilespmem:$0x1D000] =	vst v63  }
0x40: {  	_ =	swait.ge [sflag:s19], $0x3E80  }
0x41: {  	[sflag:s19] =	ssyncset.done $0x0  }
.Ltmp4:
0x42: {  	s21 =	sadd.s32 $0x2800, s21;
	[sflag:s19] =	ssyncadd.s32 $0xFFFFC180;
	(pc) =	sbr.rel .LBB2_8-.Ltmp4, $4  }
0x43: {  	[spmem:s3] =	stream.indirect.scatter.add.f32 [tilespmem:s18], [sflag:$0x2], $0x80, s21, s17, $0xb8;
	[tilespmem:$0x1D000] =	vst v63  }
0x44: {  	_ =	swait.ge [sflag:s13], $0x3E80  }
0x45: {  	[sflag:s13] =	ssyncset.done $0x0  }
0x46: {  	s21 =	smov.u32 s7;
	[sflag:s13] =	ssyncadd.s32 $0xFFFFC180  }
.LBB2_5:
0x47: {  	[tilespmem:s18], [sflag:$0x1] =	stream.indirect.gather [hbm4b:s5+s17], $0x80, s21, s17, $0xb8;
	[tilespmem:$0x1D000] =	vst v63  }
0x48: {  	_ =	swait.ge [sflag:s19], $0x3E80  }
0x49: {  	[sflag:s19] =	ssyncset.done $0x0  }
0x4a: {  	s31 =	simm.s32 $0x2800;
	[sflag:s19] =	ssyncadd.s32 $0xFFFFC180  }
0x4b: {  	[spmem:s3] =	stream.indirect.scatter.add.f32 [tilespmem:s18], [sflag:$0x2], $0x80, s31, s17, $0xb8;
	[tilespmem:$0x1D000] =	vst v63  }
0x4c: {  	_ =	swait.ge [sflag:s13], $0x3E80  }
0x4d: {  	s21 =	simm.s32 $0x200;
	s22 =	simm.s32 $0x400;
	[sflag:s13] =	ssyncset.done $0x0  }
.LBB2_6:
0x4e: {  	s23 =	sshra.s32 s21, $0x2  }
0x4f: {  	[sflag:s13] =	ssyncadd.s32 $0xFFFFC180;
	s21 =	smov.u32 s22;
	s24 =	sadd.s32 $0x200, s22  }
0x50: {  	[tilespmem:s18], [sflag:$0x1] =	stream.indirect.gather [hbm4b:s5+s17], $0x80, s23, s17, $0xb8;
	[tilespmem:$0x1D000] =	vst v63  }
0x51: {  	p1 =	sne.s32 s22, $0x9E00;
	_ =	swait.ge [sflag:s19], $0x3E80  }
.Ltmp5:
0x52: {  	[sflag:s19] =	ssyncset.done $0x0;
	(pc) =	sbr.rel @p1 .LBB2_6-.Ltmp5, $4  }
0x53: {  	s22 =	sadd.s32 $0x2800, s23;
	[sflag:s19] =	ssyncadd.s32 $0xFFFFC180  }
0x54: {  	[spmem:s3] =	stream.indirect.scatter.add.f32 [tilespmem:s18], [sflag:$0x2], $0x80, s22, s17, $0xb8;
	[tilespmem:$0x1D000] =	vst v63  }
0x55: {  	_ =	swait.ge [sflag:s13], $0x3E80  }
0x56: {  	s22 =	smov.u32 s24;
	[sflag:s13] =	ssyncset.done $0x0  }
.Ltmp6:
0x57: {  	_ = 	snop;
	(pc) =	sbr.rel .LBB2_7-.Ltmp6, $1  }
0x58: {  	_ =	sdelay $0x3  }
.LBB2_9:
0x59: {  	_ =	sfence.sel $0x180000  }
0x5a: {  	[bflag:$0x0] =	sbarrier.arrive $0xFFFF  }
0x5b: {  	p0 =	sne.s32 s2, $0x0;
	_ =	strace $0x9000004A  }
0x5c: {  	s0 =	sadd.s32 @!p0 $0x100000, s0;
	[bflag:$0x2] =	sbarrier.arrive $0xFFFF  }
0x5d: {  	[sflag:s0] =	ssyncadd.tile.s32 @!p0 $0x1;
	_ =	shalt  }
.Lfunc_end2:
_tile_overlayer_lowered:
.L_overlay_start_2:
0x5e: {  	(tag) =	ssettag $0x2  }
0x5f: {  	s0 =	rddreg [dreg:$0x0];
	s2 =	stileid.u32  }
0x60: {  	s1 =	rddreg [dreg:$0x1];
	p0 =	sne.s32 s2, $0x0  }
0x61: {  	s3 =	rddreg [dreg:$0x2];
	[bflag:$0x3] =	sbarrier.arrive $0xFFFF;
	s2 =	simm.s32 @!p0 $0x1C02  }
0x62: {  	[timem:s3], [sflag:s2] =	dma.local @!p0 [hbm:s0], s1  }
0x63: {  	s0 =	simm.s32 @!p0 $0x2  }
0x64: {  	_ =	swait.ge @!p0 [sflag:s0], s1  }
0x65: {  	s1 =	ssub.s32 @!p0 $0x0, s1;
	[sflag:s0] =	ssyncset.done @!p0 $0x0  }
0x66: {  	[sflag:s0] =	ssyncadd.s32 @!p0 s1  }
0x67: {  	[bflag:$0x3] =	sbarrier.arrive $0xFFFF  }
0x68: {  	_ =	shalt  }

</sc_bundles>
